<compile_context>
chip_gen: v7x
topology: tpu7x:2x2x1
jax: 0.10.2.dev20260603
libtpu: 0.0.44.dev20260713+nightly
codegen_flags: <defaults>
</compile_context>

<pallas_src>
import functools

import jax
import jax.numpy as jnp
from jax import lax
from jax.experimental import pallas as pl
from jax.experimental.pallas import tpu as pltpu
from jax.experimental.pallas import tpu_sc as plsc

N_NODES = 10000
N_EDGES = 320000
D = 128
DH = D // 2
NC, NS = 2, 16
B = 128
NB = 159
EPT = NB * B
E_PAD = EPT * NS
NP = 10240
RPT = NP // NS
DW = 8
NSLOT = 3
DUMMY = N_NODES


def _sc_aggregate(h2, src0_r, src1_r, dst_r):
  mesh = plsc.VectorSubcoreMesh(core_axis_name="c", subcore_axis_name="s")

  @functools.partial(
      pl.kernel,
      out_type=(
          jax.ShapeDtypeStruct((NC, NP, DH), jnp.float32),
          jax.ShapeDtypeStruct((NC, NP, DW), jnp.float32),
      ),
      mesh=mesh,
      compiler_params=pltpu.CompilerParams(use_tc_tiling_on_sc=False),
      scratch_types=[
          pltpu.VMEM((NB, B), jnp.int32),
          pltpu.VMEM((NB, B), jnp.int32),
          pltpu.VMEM((NSLOT, B, DH), jnp.float32),
          pltpu.VMEM((B, DH), jnp.float32),
          pltpu.VMEM((B, DW), jnp.float32),
          pltpu.VMEM((B, DW), jnp.float32),
          pltpu.VMEM_SHARED((NP, DH), jnp.float32),
          pltpu.VMEM_SHARED((NP, DW), jnp.float32),
      ] + [pltpu.SemaphoreType.DMA] * (3 * NSLOT),
  )
  def agg(h2_hbm, src0_hbm, src1_hbm, dst_hbm, zrow_hbm, zdeg_hbm, ones_hbm,
          acc_out, deg_out,
          src_v, dst_v, rows_v, zrow_v, zdeg_v, ones_v, acc_sh, deg_sh,
          *sems):
    c = lax.axis_index("c")
    s = lax.axis_index("s")
    gsems = sems[0:NSLOT]
    ssems = sems[NSLOT:2 * NSLOT]
    dsems = sems[2 * NSLOT:3 * NSLOT]

    @pl.when(c == 0)
    def _():
      pltpu.sync_copy(src0_hbm.at[s], src_v)

    @pl.when(c == 1)
    def _():
      pltpu.sync_copy(src1_hbm.at[s], src_v)

    for b in range(NSLOT):
      pltpu.async_copy(h2_hbm.at[src_v.at[b]], rows_v.at[b], gsems[b])

    pltpu.sync_copy(dst_hbm.at[s], dst_v)
    pltpu.sync_copy(zrow_hbm, zrow_v)
    pltpu.sync_copy(zdeg_hbm, zdeg_v)
    pltpu.sync_copy(ones_hbm, ones_v)

    base = s * RPT
    for z in range(RPT // B):
      pltpu.sync_copy(zrow_v, acc_sh.at[pl.ds(base + z * B, B)])
      pltpu.sync_copy(zdeg_v, deg_sh.at[pl.ds(base + z * B, B)])
    plsc.subcore_barrier()

    def body(i, carry):
      for b in range(NSLOT):
        jj = NSLOT * i + b
        pltpu.make_async_copy(
            h2_hbm.at[src_v.at[0]], rows_v.at[b], gsems[b]).wait()
        pltpu.async_copy(
            rows_v.at[b], acc_sh.at[dst_v.at[jj]], ssems[b], add=True)

        @pl.when(lax.rem(jj, 2) == c)
        def _():
          pltpu.async_copy(
              ones_v, deg_sh.at[dst_v.at[jj]], dsems[b], add=True)

        pltpu.make_async_copy(
            rows_v.at[b], acc_sh.at[dst_v.at[0]], ssems[b]).wait()

        @pl.when(lax.rem(jj, 2) == c)
        def _():
          pltpu.make_async_copy(
              ones_v, deg_sh.at[dst_v.at[0]], dsems[b]).wait()

        nxt = jnp.minimum(jj + NSLOT, NB - 1)
        pltpu.async_copy(h2_hbm.at[src_v.at[nxt]], rows_v.at[b], gsems[b])
      return carry

    lax.fori_loop(0, NB // NSLOT, body, 0)
    for b in range(NSLOT):
      pltpu.make_async_copy(
          h2_hbm.at[src_v.at[0]], rows_v.at[b], gsems[b]).wait()

    plsc.subcore_barrier()

    rb = s * RPT
    pltpu.sync_copy(acc_sh.at[pl.ds(rb, RPT)], acc_out.at[c, pl.ds(rb, RPT)])
    pltpu.sync_copy(deg_sh.at[pl.ds(rb, RPT)], deg_out.at[c, pl.ds(rb, RPT)])

  zrow = jnp.zeros((B, DH), jnp.float32)
  zdeg = jnp.zeros((B, DW), jnp.float32)
  ones = jnp.ones((B, DW), jnp.float32)
  return agg(h2, src0_r, src1_r, dst_r, zrow, zdeg, ones)


def _tc_dense(h, acc, deg, W_self, W_neigh, b2):
  R = 400

  def body(h_ref, a_ref, d_ref, ws_ref, wn_ref, b_ref, o_ref):
    hh = h_ref[...]
    accs = jnp.concatenate([a_ref[0], a_ref[1]], axis=-1)
    degc = jnp.maximum(d_ref[0, :, 0:1] + d_ref[1, :, 0:1], 1.0)
    hn = accs / degc
    rst = jnp.dot(hh, ws_ref[...], preferred_element_type=jnp.float32)
    rst = rst + jnp.dot(hn, wn_ref[...], preferred_element_type=jnp.float32)
    rst = rst + b_ref[...]
    rst = jnp.where(rst > 0, rst, rst * 0.01)
    o_ref[...] = hh + rst

  return pl.pallas_call(
      body,
      grid=(N_NODES // R,),
      in_specs=[
          pl.BlockSpec((R, D), lambda i: (i, 0)),
          pl.BlockSpec((NC, R, DH), lambda i: (0, i, 0)),
          pl.BlockSpec((NC, R, DW), lambda i: (0, i, 0)),
          pl.BlockSpec((D, D), lambda i: (0, 0)),
          pl.BlockSpec((D, D), lambda i: (0, 0)),
          pl.BlockSpec((1, D), lambda i: (0, 0)),
      ],
      out_specs=pl.BlockSpec((R, D), lambda i: (i, 0)),
      out_shape=jax.ShapeDtypeStruct((N_NODES, D), jnp.float32),
  )(h, acc, deg, W_self, W_neigh, b2)


@jax.jit
def _impl(h, edge_index, W_self, W_neigh, b):
  src = edge_index[0]
  dst = edge_index[1]
  pad = E_PAD - N_EDGES
  src_p = jnp.concatenate([src, jnp.zeros((pad,), jnp.int32)])
  dst_p = jnp.concatenate([dst, jnp.full((pad,), DUMMY, jnp.int32)])
  h2 = h.reshape(2 * N_NODES, DH)
  src0_r = (src_p * 2).reshape(NS, NB, B)
  src1_r = (src_p * 2 + 1).reshape(NS, NB, B)
  dst_r = dst_p.reshape(NS, NB, B)
  acc, deg = _sc_aggregate(h2, src0_r, src1_r, dst_r)
  return _tc_dense(h, acc, deg, W_self, W_neigh, b.reshape(1, D))


def kernel(h, edge_index, W_self, W_neigh, b):
  return _impl(h, edge_index, W_self, W_neigh, b)

# --- scband reference (transcript-rebuilt; emitter-appended) ---
"""Pipeline reference for scband-graph-sage-layer-47725676593247 (READ-ONLY COPY).

The authoritative reference and input builder live on the scoring server;
editing this copy changes nothing except your own understanding.
"""

import jax
import jax.numpy as jnp
import numpy as np

N_NODES = 10000
N_EDGES = 320000
D = 128

def setup_inputs(seed: int = 0) -> dict:
    key = jax.random.key(seed)
    k1, k2, k3, k4, k5 = jax.random.split(key, 5)
    h = jax.random.normal(k1, (N_NODES, D), dtype=jnp.float32)
    edge_index = jax.random.randint(k2, (2, N_EDGES), 0, N_NODES, dtype=jnp.int32)
    scale = 1.0 / np.sqrt(D)
    W_self = jax.random.normal(k3, (D, D), dtype=jnp.float32) * scale
    W_neigh = jax.random.normal(k4, (D, D), dtype=jnp.float32) * scale
    b = jax.random.normal(k5, (D,), dtype=jnp.float32) * 0.01
    return {"h": h, "edge_index": edge_index, "W_self": W_self, "W_neigh": W_neigh, "b": b}

def reference(h, edge_index, W_self, W_neigh, b):
    # GraphSageLayer forward: SAGEConv(mean aggregator, dropout=0, no batchnorm) + residual
    n = h.shape[0]
    src = edge_index[0]
    dst = edge_index[1]
    # message: gather source node features along each edge
    msg = jnp.take(h, src, axis=0)
    # mean aggregation over incoming edges per destination node
    neigh_sum = jax.ops.segment_sum(msg, dst, num_segments=n)
    deg = jax.ops.segment_sum(jnp.ones((msg.shape[0],), dtype=h.dtype), dst, num_segments=n)
    h_neigh = neigh_sum / jnp.clip(deg, 1.0, None)[:, None]
    # SAGEConv: rst = fc_self(h) + fc_neigh(h_neigh) + bias
    rst = h @ W_self + h_neigh @ W_neigh + b
    # activation = F.leaky_relu (default negative_slope=0.01)
    rst = jax.nn.leaky_relu(rst, negative_slope=0.01)
    # residual connection (in_feats == out_feats, residual=True)
    out = h + rst
    return out

if __name__ == "__main__":
    import jax
    _d = setup_inputs()
    print(jax.jit(kernel)(*tuple(_d.values())))

</pallas_src>

<mosaic_0001>
#map = affine_map<(d0, d1) -> (0, 0)>
#map1 = affine_map<(d0, d1) -> (0, 0, 0)>
module attributes {stable_mosaic.version = 14 : i64} {
  func.func @agg(%arg0: i32, %arg1: i32, %arg2: memref<20000x64xf32, #tpu.memory_space<hbm>>, %arg3: memref<16x159x128xi32, #tpu.memory_space<hbm>>, %arg4: memref<16x159x128xi32, #tpu.memory_space<hbm>>, %arg5: memref<16x159x128xi32, #tpu.memory_space<hbm>>, %arg6: memref<128x64xf32, #tpu.memory_space<hbm>>, %arg7: memref<128x8xf32, #tpu.memory_space<hbm>>, %arg8: memref<128x8xf32, #tpu.memory_space<hbm>>, %arg9: memref<2x10240x64xf32, #tpu.memory_space<hbm>>, %arg10: memref<2x10240x8xf32, #tpu.memory_space<hbm>>, %arg11: memref<159x128xi32, #tpu.memory_space<vmem>>, %arg12: memref<159x128xi32, #tpu.memory_space<vmem>>, %arg13: memref<3x128x64xf32, #tpu.memory_space<vmem>>, %arg14: memref<128x64xf32, #tpu.memory_space<vmem>>, %arg15: memref<128x8xf32, #tpu.memory_space<vmem>>, %arg16: memref<128x8xf32, #tpu.memory_space<vmem>>, %arg17: memref<10240x64xf32, #tpu.memory_space<vmem_shared>>, %arg18: memref<10240x8xf32, #tpu.memory_space<vmem_shared>>, %arg19: memref<!tpu.dma_semaphore, #tpu.memory_space<semaphore_mem>>, %arg20: memref<!tpu.dma_semaphore, #tpu.memory_space<semaphore_mem>>, %arg21: memref<!tpu.dma_semaphore, #tpu.memory_space<semaphore_mem>>, %arg22: memref<!tpu.dma_semaphore, #tpu.memory_space<semaphore_mem>>, %arg23: memref<!tpu.dma_semaphore, #tpu.memory_space<semaphore_mem>>, %arg24: memref<!tpu.dma_semaphore, #tpu.memory_space<semaphore_mem>>, %arg25: memref<!tpu.dma_semaphore, #tpu.memory_space<semaphore_mem>>, %arg26: memref<!tpu.dma_semaphore, #tpu.memory_space<semaphore_mem>>, %arg27: memref<!tpu.dma_semaphore, #tpu.memory_space<semaphore_mem>>) attributes {dimension_semantics = [#tpu.dimension_semantics<core_parallel>, #tpu.dimension_semantics<subcore_parallel>], iteration_bounds = array<i64: 2, 16>, scalar_prefetch = 0 : i64, scratch_operands = 17 : i64, tpu.core_type = #tpu.core_type<sc_vector_subcore>, window_params = [{transform_indices = #map}, {transform_indices = #map1}, {transform_indices = #map1}, {transform_indices = #map1}, {transform_indices = #map}, {transform_indices = #map}, {transform_indices = #map}, {transform_indices = #map1}, {transform_indices = #map1}]} {
    %eq3A = arith.constant 0 : i32
    %eq3A_0 = arith.cmpi eq, %arg0, %eq3A : i32
    %convert_element_type3A = arith.extui %eq3A_0 : i1 to i32
    %cond3A = arith.constant 0 : i32
    %cond3A_1 = arith.cmpi ne, %convert_element_type3A, %cond3A : i32
    scf.if %cond3A_1 {
      "tpu.region"() ({
        %run_scoped3A = tpu.sem_alloc : memref<!tpu.dma_semaphore, #tpu.memory_space<semaphore_mem>>
        %dma_start3A_105 = arith.constant 0 : i32
        %dma_start3A_106 = arith.constant 0 : i32
        %dma_start3A_107 = tpu.memref_slice %arg3[%arg1, %dma_start3A_105, %dma_start3A_106] : memref<16x159x128xi32, #tpu.memory_space<hbm>> -> memref<1x159x128xi32, #tpu.memory_space<hbm>>
        %dma_start3A_108 = tpu.memref_squeeze %dma_start3A_107 : memref<1x159x128xi32, #tpu.memory_space<hbm>> -> memref<159x128xi32, #tpu.memory_space<hbm>>
        %dma_start3A_109 = arith.constant 0 : i32
        %dma_start3A_110 = arith.constant 0 : i32
        %dma_start3A_111 = tpu.memref_slice %arg3[%arg1, %dma_start3A_109, %dma_start3A_110] : memref<16x159x128xi32, #tpu.memory_space<hbm>> -> memref<1x159x128xi32, #tpu.memory_space<hbm>>
        %dma_start3A_112 = tpu.memref_squeeze %dma_start3A_111 : memref<1x159x128xi32, #tpu.memory_space<hbm>> -> memref<159x128xi32, #tpu.memory_space<hbm>>
        tpu.enqueue_dma source(%dma_start3A_112 : memref<159x128xi32, #tpu.memory_space<hbm>>) target(%arg11 : memref<159x128xi32, #tpu.memory_space<vmem>>) target_semaphore(%run_scoped3A : memref<!tpu.dma_semaphore, #tpu.memory_space<semaphore_mem>>)
        %dma_wait3A_113 = arith.constant 0 : i32
        %dma_wait3A_114 = arith.constant 0 : i32
        %dma_wait3A_115 = tpu.memref_slice %arg3[%arg1, %dma_wait3A_113, %dma_wait3A_114] : memref<16x159x128xi32, #tpu.memory_space<hbm>> -> memref<1x159x128xi32, #tpu.memory_space<hbm>>
        %dma_wait3A_116 = tpu.memref_squeeze %dma_wait3A_115 : memref<1x159x128xi32, #tpu.memory_space<hbm>> -> memref<159x128xi32, #tpu.memory_space<hbm>>
        %dma_wait3A_117 = arith.constant 0 : i32
        %dma_wait3A_118 = arith.constant 0 : i32
        %dma_wait3A_119 = tpu.memref_slice %arg3[%arg1, %dma_wait3A_117, %dma_wait3A_118] : memref<16x159x128xi32, #tpu.memory_space<hbm>> -> memref<1x159x128xi32, #tpu.memory_space<hbm>>
        %dma_wait3A_120 = tpu.memref_squeeze %dma_wait3A_119 : memref<1x159x128xi32, #tpu.memory_space<hbm>> -> memref<159x128xi32, #tpu.memory_space<hbm>>
        tpu.wait_dma2 semaphore(%run_scoped3A : memref<!tpu.dma_semaphore, #tpu.memory_space<semaphore_mem>>) src(%dma_wait3A_120 : memref<159x128xi32, #tpu.memory_space<hbm>>) dst(%arg11 : memref<159x128xi32, #tpu.memory_space<vmem>>)
        tpu.yield
      }) : () -> ()
    } else {
    }
    %eq3A_2 = arith.constant 1 : i32
    %eq3A_3 = arith.cmpi eq, %arg0, %eq3A_2 : i32
    %convert_element_type3A_4 = arith.extui %eq3A_3 : i1 to i32
    %cond3A_5 = arith.constant 0 : i32
    %cond3A_6 = arith.cmpi ne, %convert_element_type3A_4, %cond3A_5 : i32
    scf.if %cond3A_6 {
      "tpu.region"() ({
        %run_scoped3A = tpu.sem_alloc : memref<!tpu.dma_semaphore, #tpu.memory_space<semaphore_mem>>
        %dma_start3A_105 = arith.constant 0 : i32
        %dma_start3A_106 = arith.constant 0 : i32
        %dma_start3A_107 = tpu.memref_slice %arg4[%arg1, %dma_start3A_105, %dma_start3A_106] : memref<16x159x128xi32, #tpu.memory_space<hbm>> -> memref<1x159x128xi32, #tpu.memory_space<hbm>>
        %dma_start3A_108 = tpu.memref_squeeze %dma_start3A_107 : memref<1x159x128xi32, #tpu.memory_space<hbm>> -> memref<159x128xi32, #tpu.memory_space<hbm>>
        %dma_start3A_109 = arith.constant 0 : i32
        %dma_start3A_110 = arith.constant 0 : i32
        %dma_start3A_111 = tpu.memref_slice %arg4[%arg1, %dma_start3A_109, %dma_start3A_110] : memref<16x159x128xi32, #tpu.memory_space<hbm>> -> memref<1x159x128xi32, #tpu.memory_space<hbm>>
        %dma_start3A_112 = tpu.memref_squeeze %dma_start3A_111 : memref<1x159x128xi32, #tpu.memory_space<hbm>> -> memref<159x128xi32, #tpu.memory_space<hbm>>
        tpu.enqueue_dma source(%dma_start3A_112 : memref<159x128xi32, #tpu.memory_space<hbm>>) target(%arg11 : memref<159x128xi32, #tpu.memory_space<vmem>>) target_semaphore(%run_scoped3A : memref<!tpu.dma_semaphore, #tpu.memory_space<semaphore_mem>>)
        %dma_wait3A_113 = arith.constant 0 : i32
        %dma_wait3A_114 = arith.constant 0 : i32
        %dma_wait3A_115 = tpu.memref_slice %arg4[%arg1, %dma_wait3A_113, %dma_wait3A_114] : memref<16x159x128xi32, #tpu.memory_space<hbm>> -> memref<1x159x128xi32, #tpu.memory_space<hbm>>
        %dma_wait3A_116 = tpu.memref_squeeze %dma_wait3A_115 : memref<1x159x128xi32, #tpu.memory_space<hbm>> -> memref<159x128xi32, #tpu.memory_space<hbm>>
        %dma_wait3A_117 = arith.constant 0 : i32
        %dma_wait3A_118 = arith.constant 0 : i32
        %dma_wait3A_119 = tpu.memref_slice %arg4[%arg1, %dma_wait3A_117, %dma_wait3A_118] : memref<16x159x128xi32, #tpu.memory_space<hbm>> -> memref<1x159x128xi32, #tpu.memory_space<hbm>>
        %dma_wait3A_120 = tpu.memref_squeeze %dma_wait3A_119 : memref<1x159x128xi32, #tpu.memory_space<hbm>> -> memref<159x128xi32, #tpu.memory_space<hbm>>
        tpu.wait_dma2 semaphore(%run_scoped3A : memref<!tpu.dma_semaphore, #tpu.memory_space<semaphore_mem>>) src(%dma_wait3A_120 : memref<159x128xi32, #tpu.memory_space<hbm>>) dst(%arg11 : memref<159x128xi32, #tpu.memory_space<vmem>>)
        tpu.yield
      }) : () -> ()
    } else {
    }
    %dma_start3A = arith.constant 0 : i32
    %dma_start3A_7 = arith.constant 0 : i32
    %dma_start3A_8 = arith.constant 0 : i32
    %dma_start3A_9 = arith.constant 0 : i32
    %dma_start3A_10 = tpu.memref_slice %arg13[%dma_start3A_7, %dma_start3A_8, %dma_start3A_9] : memref<3x128x64xf32, #tpu.memory_space<vmem>> -> memref<1x128x64xf32, #tpu.memory_space<vmem>>
    %dma_start3A_11 = tpu.memref_squeeze %dma_start3A_10 : memref<1x128x64xf32, #tpu.memory_space<vmem>> -> memref<128x64xf32, #tpu.memory_space<vmem>>
    %dma_start3A_12 = arith.constant 0 : i32
    %dma_start3A_13 = tpu.memref_slice %arg11[%dma_start3A, %dma_start3A_12] : memref<159x128xi32, #tpu.memory_space<vmem>> -> memref<1x128xi32, #tpu.memory_space<vmem>>
    %dma_start3A_14 = tpu.memref_squeeze %dma_start3A_13 : memref<1x128xi32, #tpu.memory_space<vmem>> -> memref<128xi32, #tpu.memory_space<vmem>>
    %dma_start3A_15 = arith.constant 0 : i32
    %dma_start3A_16 = arith.constant 0 : i32
    %dma_start3A_17 = tpu.memref_slice %arg2[%dma_start3A_15, %dma_start3A_16] : memref<20000x64xf32, #tpu.memory_space<hbm>> -> memref<20000x64xf32, #tpu.memory_space<hbm>>
    tpu.enqueue_indirect_dma source(%dma_start3A_17 : memref<20000x64xf32, #tpu.memory_space<hbm>>) target(%dma_start3A_11 : memref<128x64xf32, #tpu.memory_space<vmem>>) offsets(%dma_start3A_14 : memref<128xi32, #tpu.memory_space<vmem>>) semaphore(%arg19 : memref<!tpu.dma_semaphore, #tpu.memory_space<semaphore_mem>>)
    %dma_start3A_18 = arith.constant 1 : i32
    %dma_start3A_19 = arith.constant 1 : i32
    %dma_start3A_20 = arith.constant 0 : i32
    %dma_start3A_21 = arith.constant 0 : i32
    %dma_start3A_22 = tpu.memref_slice %arg13[%dma_start3A_19, %dma_start3A_20, %dma_start3A_21] : memref<3x128x64xf32, #tpu.memory_space<vmem>> -> memref<1x128x64xf32, #tpu.memory_space<vmem>>
    %dma_start3A_23 = tpu.memref_squeeze %dma_start3A_22 : memref<1x128x64xf32, #tpu.memory_space<vmem>> -> memref<128x64xf32, #tpu.memory_space<vmem>>
    %dma_start3A_24 = arith.constant 0 : i32
    %dma_start3A_25 = tpu.memref_slice %arg11[%dma_start3A_18, %dma_start3A_24] : memref<159x128xi32, #tpu.memory_space<vmem>> -> memref<1x128xi32, #tpu.memory_space<vmem>>
    %dma_start3A_26 = tpu.memref_squeeze %dma_start3A_25 : memref<1x128xi32, #tpu.memory_space<vmem>> -> memref<128xi32, #tpu.memory_space<vmem>>
    %dma_start3A_27 = arith.constant 0 : i32
    %dma_start3A_28 = arith.constant 0 : i32
    %dma_start3A_29 = tpu.memref_slice %arg2[%dma_start3A_27, %dma_start3A_28] : memref<20000x64xf32, #tpu.memory_space<hbm>> -> memref<20000x64xf32, #tpu.memory_space<hbm>>
    tpu.enqueue_indirect_dma source(%dma_start3A_29 : memref<20000x64xf32, #tpu.memory_space<hbm>>) target(%dma_start3A_23 : memref<128x64xf32, #tpu.memory_space<vmem>>) offsets(%dma_start3A_26 : memref<128xi32, #tpu.memory_space<vmem>>) semaphore(%arg20 : memref<!tpu.dma_semaphore, #tpu.memory_space<semaphore_mem>>)
    %dma_start3A_30 = arith.constant 2 : i32
    %dma_start3A_31 = arith.constant 2 : i32
    %dma_start3A_32 = arith.constant 0 : i32
    %dma_start3A_33 = arith.constant 0 : i32
    %dma_start3A_34 = tpu.memref_slice %arg13[%dma_start3A_31, %dma_start3A_32, %dma_start3A_33] : memref<3x128x64xf32, #tpu.memory_space<vmem>> -> memref<1x128x64xf32, #tpu.memory_space<vmem>>
    %dma_start3A_35 = tpu.memref_squeeze %dma_start3A_34 : memref<1x128x64xf32, #tpu.memory_space<vmem>> -> memref<128x64xf32, #tpu.memory_space<vmem>>
    %dma_start3A_36 = arith.constant 0 : i32
    %dma_start3A_37 = tpu.memref_slice %arg11[%dma_start3A_30, %dma_start3A_36] : memref<159x128xi32, #tpu.memory_space<vmem>> -> memref<1x128xi32, #tpu.memory_space<vmem>>
    %dma_start3A_38 = tpu.memref_squeeze %dma_start3A_37 : memref<1x128xi32, #tpu.memory_space<vmem>> -> memref<128xi32, #tpu.memory_space<vmem>>
    %dma_start3A_39 = arith.constant 0 : i32
    %dma_start3A_40 = arith.constant 0 : i32
    %dma_start3A_41 = tpu.memref_slice %arg2[%dma_start3A_39, %dma_start3A_40] : memref<20000x64xf32, #tpu.memory_space<hbm>> -> memref<20000x64xf32, #tpu.memory_space<hbm>>
    tpu.enqueue_indirect_dma source(%dma_start3A_41 : memref<20000x64xf32, #tpu.memory_space<hbm>>) target(%dma_start3A_35 : memref<128x64xf32, #tpu.memory_space<vmem>>) offsets(%dma_start3A_38 : memref<128xi32, #tpu.memory_space<vmem>>) semaphore(%arg21 : memref<!tpu.dma_semaphore, #tpu.memory_space<semaphore_mem>>)
    "tpu.region"() ({
      %run_scoped3A = tpu.sem_alloc : memref<!tpu.dma_semaphore, #tpu.memory_space<semaphore_mem>>
      %dma_start3A_105 = arith.constant 0 : i32
      %dma_start3A_106 = arith.constant 0 : i32
      %dma_start3A_107 = tpu.memref_slice %arg5[%arg1, %dma_start3A_105, %dma_start3A_106] : memref<16x159x128xi32, #tpu.memory_space<hbm>> -> memref<1x159x128xi32, #tpu.memory_space<hbm>>
      %dma_start3A_108 = tpu.memref_squeeze %dma_start3A_107 : memref<1x159x128xi32, #tpu.memory_space<hbm>> -> memref<159x128xi32, #tpu.memory_space<hbm>>
      %dma_start3A_109 = arith.constant 0 : i32
      %dma_start3A_110 = arith.constant 0 : i32
      %dma_start3A_111 = tpu.memref_slice %arg5[%arg1, %dma_start3A_109, %dma_start3A_110] : memref<16x159x128xi32, #tpu.memory_space<hbm>> -> memref<1x159x128xi32, #tpu.memory_space<hbm>>
      %dma_start3A_112 = tpu.memref_squeeze %dma_start3A_111 : memref<1x159x128xi32, #tpu.memory_space<hbm>> -> memref<159x128xi32, #tpu.memory_space<hbm>>
      tpu.enqueue_dma source(%dma_start3A_112 : memref<159x128xi32, #tpu.memory_space<hbm>>) target(%arg12 : memref<159x128xi32, #tpu.memory_space<vmem>>) target_semaphore(%run_scoped3A : memref<!tpu.dma_semaphore, #tpu.memory_space<semaphore_mem>>)
      %dma_wait3A_113 = arith.constant 0 : i32
      %dma_wait3A_114 = arith.constant 0 : i32
      %dma_wait3A_115 = tpu.memref_slice %arg5[%arg1, %dma_wait3A_113, %dma_wait3A_114] : memref<16x159x128xi32, #tpu.memory_space<hbm>> -> memref<1x159x128xi32, #tpu.memory_space<hbm>>
      %dma_wait3A_116 = tpu.memref_squeeze %dma_wait3A_115 : memref<1x159x128xi32, #tpu.memory_space<hbm>> -> memref<159x128xi32, #tpu.memory_space<hbm>>
      %dma_wait3A_117 = arith.constant 0 : i32
      %dma_wait3A_118 = arith.constant 0 : i32
      %dma_wait3A_119 = tpu.memref_slice %arg5[%arg1, %dma_wait3A_117, %dma_wait3A_118] : memref<16x159x128xi32, #tpu.memory_space<hbm>> -> memref<1x159x128xi32, #tpu.memory_space<hbm>>
      %dma_wait3A_120 = tpu.memref_squeeze %dma_wait3A_119 : memref<1x159x128xi32, #tpu.memory_space<hbm>> -> memref<159x128xi32, #tpu.memory_space<hbm>>
      tpu.wait_dma2 semaphore(%run_scoped3A : memref<!tpu.dma_semaphore, #tpu.memory_space<semaphore_mem>>) src(%dma_wait3A_120 : memref<159x128xi32, #tpu.memory_space<hbm>>) dst(%arg12 : memref<159x128xi32, #tpu.memory_space<vmem>>)
      tpu.yield
    }) : () -> ()
    "tpu.region"() ({
      %run_scoped3A = tpu.sem_alloc : memref<!tpu.dma_semaphore, #tpu.memory_space<semaphore_mem>>
      tpu.enqueue_dma source(%arg6 : memref<128x64xf32, #tpu.memory_space<hbm>>) target(%arg14 : memref<128x64xf32, #tpu.memory_space<vmem>>) target_semaphore(%run_scoped3A : memref<!tpu.dma_semaphore, #tpu.memory_space<semaphore_mem>>)
      tpu.wait_dma2 semaphore(%run_scoped3A : memref<!tpu.dma_semaphore, #tpu.memory_space<semaphore_mem>>) src(%arg6 : memref<128x64xf32, #tpu.memory_space<hbm>>) dst(%arg14 : memref<128x64xf32, #tpu.memory_space<vmem>>)
      tpu.yield
    }) : () -> ()
    "tpu.region"() ({
      %run_scoped3A = tpu.sem_alloc : memref<!tpu.dma_semaphore, #tpu.memory_space<semaphore_mem>>
      tpu.enqueue_dma source(%arg7 : memref<128x8xf32, #tpu.memory_space<hbm>>) target(%arg15 : memref<128x8xf32, #tpu.memory_space<vmem>>) target_semaphore(%run_scoped3A : memref<!tpu.dma_semaphore, #tpu.memory_space<semaphore_mem>>)
      tpu.wait_dma2 semaphore(%run_scoped3A : memref<!tpu.dma_semaphore, #tpu.memory_space<semaphore_mem>>) src(%arg7 : memref<128x8xf32, #tpu.memory_space<hbm>>) dst(%arg15 : memref<128x8xf32, #tpu.memory_space<vmem>>)
      tpu.yield
    }) : () -> ()
    "tpu.region"() ({
      %run_scoped3A = tpu.sem_alloc : memref<!tpu.dma_semaphore, #tpu.memory_space<semaphore_mem>>
      tpu.enqueue_dma source(%arg8 : memref<128x8xf32, #tpu.memory_space<hbm>>) target(%arg16 : memref<128x8xf32, #tpu.memory_space<vmem>>) target_semaphore(%run_scoped3A : memref<!tpu.dma_semaphore, #tpu.memory_space<semaphore_mem>>)
      tpu.wait_dma2 semaphore(%run_scoped3A : memref<!tpu.dma_semaphore, #tpu.memory_space<semaphore_mem>>) src(%arg8 : memref<128x8xf32, #tpu.memory_space<hbm>>) dst(%arg16 : memref<128x8xf32, #tpu.memory_space<vmem>>)
      tpu.yield
    }) : () -> ()
    %mul3A = arith.constant 640 : i32
    %mul3A_42 = arith.muli %arg1, %mul3A : i32
    %add3A = arith.constant 0 : i32
    %add3A_43 = arith.addi %mul3A_42, %add3A : i32
    "tpu.region"() ({
      %run_scoped3A = tpu.sem_alloc : memref<!tpu.dma_semaphore, #tpu.memory_space<semaphore_mem>>
      %dma_start3A_105 = arith.constant 0 : i32
      %dma_start3A_106 = tpu.memref_slice %arg17[%add3A_43, %dma_start3A_105] : memref<10240x64xf32, #tpu.memory_space<vmem_shared>> -> memref<128x64xf32, #tpu.memory_space<vmem_shared>>
      %dma_start3A_107 = arith.constant 0 : i32
      %dma_start3A_108 = tpu.memref_slice %arg17[%add3A_43, %dma_start3A_107] : memref<10240x64xf32, #tpu.memory_space<vmem_shared>> -> memref<128x64xf32, #tpu.memory_space<vmem_shared>>
      tpu.enqueue_dma source(%arg14 : memref<128x64xf32, #tpu.memory_space<vmem>>) target(%dma_start3A_108 : memref<128x64xf32, #tpu.memory_space<vmem_shared>>) target_semaphore(%run_scoped3A : memref<!tpu.dma_semaphore, #tpu.memory_space<semaphore_mem>>)
      %dma_wait3A_109 = arith.constant 0 : i32
      %dma_wait3A_110 = tpu.memref_slice %arg17[%add3A_43, %dma_wait3A_109] : memref<10240x64xf32, #tpu.memory_space<vmem_shared>> -> memref<128x64xf32, #tpu.memory_space<vmem_shared>>
      %dma_wait3A_111 = arith.constant 0 : i32
      %dma_wait3A_112 = tpu.memref_slice %arg17[%add3A_43, %dma_wait3A_111] : memref<10240x64xf32, #tpu.memory_space<vmem_shared>> -> memref<128x64xf32, #tpu.memory_space<vmem_shared>>
      tpu.wait_dma2 semaphore(%run_scoped3A : memref<!tpu.dma_semaphore, #tpu.memory_space<semaphore_mem>>) src(%arg14 : memref<128x64xf32, #tpu.memory_space<vmem>>) dst(%dma_wait3A_112 : memref<128x64xf32, #tpu.memory_space<vmem_shared>>)
      tpu.yield
    }) : () -> ()
    %add3A_44 = arith.constant 0 : i32
    %add3A_45 = arith.addi %mul3A_42, %add3A_44 : i32
    "tpu.region"() ({
      %run_scoped3A = tpu.sem_alloc : memref<!tpu.dma_semaphore, #tpu.memory_space<semaphore_mem>>
      %dma_start3A_105 = arith.constant 0 : i32
      %dma_start3A_106 = tpu.memref_slice %arg18[%add3A_45, %dma_start3A_105] : memref<10240x8xf32, #tpu.memory_space<vmem_shared>> -> memref<128x8xf32, #tpu.memory_space<vmem_shared>>
      %dma_start3A_107 = arith.constant 0 : i32
      %dma_start3A_108 = tpu.memref_slice %arg18[%add3A_45, %dma_start3A_107] : memref<10240x8xf32, #tpu.memory_space<vmem_shared>> -> memref<128x8xf32, #tpu.memory_space<vmem_shared>>
      tpu.enqueue_dma source(%arg15 : memref<128x8xf32, #tpu.memory_space<vmem>>) target(%dma_start3A_108 : memref<128x8xf32, #tpu.memory_space<vmem_shared>>) target_semaphore(%run_scoped3A : memref<!tpu.dma_semaphore, #tpu.memory_space<semaphore_mem>>)
      %dma_wait3A_109 = arith.constant 0 : i32
      %dma_wait3A_110 = tpu.memref_slice %arg18[%add3A_45, %dma_wait3A_109] : memref<10240x8xf32, #tpu.memory_space<vmem_shared>> -> memref<128x8xf32, #tpu.memory_space<vmem_shared>>
      %dma_wait3A_111 = arith.constant 0 : i32
      %dma_wait3A_112 = tpu.memref_slice %arg18[%add3A_45, %dma_wait3A_111] : memref<10240x8xf32, #tpu.memory_space<vmem_shared>> -> memref<128x8xf32, #tpu.memory_space<vmem_shared>>
      tpu.wait_dma2 semaphore(%run_scoped3A : memref<!tpu.dma_semaphore, #tpu.memory_space<semaphore_mem>>) src(%arg15 : memref<128x8xf32, #tpu.memory_space<vmem>>) dst(%dma_wait3A_112 : memref<128x8xf32, #tpu.memory_space<vmem_shared>>)
      tpu.yield
    }) : () -> ()
    %add3A_46 = arith.constant 128 : i32
    %add3A_47 = arith.addi %mul3A_42, %add3A_46 : i32
    "tpu.region"() ({
      %run_scoped3A = tpu.sem_alloc : memref<!tpu.dma_semaphore, #tpu.memory_space<semaphore_mem>>
      %dma_start3A_105 = arith.constant 0 : i32
      %dma_start3A_106 = tpu.memref_slice %arg17[%add3A_47, %dma_start3A_105] : memref<10240x64xf32, #tpu.memory_space<vmem_shared>> -> memref<128x64xf32, #tpu.memory_space<vmem_shared>>
      %dma_start3A_107 = arith.constant 0 : i32
      %dma_start3A_108 = tpu.memref_slice %arg17[%add3A_47, %dma_start3A_107] : memref<10240x64xf32, #tpu.memory_space<vmem_shared>> -> memref<128x64xf32, #tpu.memory_space<vmem_shared>>
      tpu.enqueue_dma source(%arg14 : memref<128x64xf32, #tpu.memory_space<vmem>>) target(%dma_start3A_108 : memref<128x64xf32, #tpu.memory_space<vmem_shared>>) target_semaphore(%run_scoped3A : memref<!tpu.dma_semaphore, #tpu.memory_space<semaphore_mem>>)
      %dma_wait3A_109 = arith.constant 0 : i32
      %dma_wait3A_110 = tpu.memref_slice %arg17[%add3A_47, %dma_wait3A_109] : memref<10240x64xf32, #tpu.memory_space<vmem_shared>> -> memref<128x64xf32, #tpu.memory_space<vmem_shared>>
      %dma_wait3A_111 = arith.constant 0 : i32
      %dma_wait3A_112 = tpu.memref_slice %arg17[%add3A_47, %dma_wait3A_111] : memref<10240x64xf32, #tpu.memory_space<vmem_shared>> -> memref<128x64xf32, #tpu.memory_space<vmem_shared>>
      tpu.wait_dma2 semaphore(%run_scoped3A : memref<!tpu.dma_semaphore, #tpu.memory_space<semaphore_mem>>) src(%arg14 : memref<128x64xf32, #tpu.memory_space<vmem>>) dst(%dma_wait3A_112 : memref<128x64xf32, #tpu.memory_space<vmem_shared>>)
      tpu.yield
    }) : () -> ()
    %add3A_48 = arith.constant 128 : i32
    %add3A_49 = arith.addi %mul3A_42, %add3A_48 : i32
    "tpu.region"() ({
      %run_scoped3A = tpu.sem_alloc : memref<!tpu.dma_semaphore, #tpu.memory_space<semaphore_mem>>
      %dma_start3A_105 = arith.constant 0 : i32
      %dma_start3A_106 = tpu.memref_slice %arg18[%add3A_49, %dma_start3A_105] : memref<10240x8xf32, #tpu.memory_space<vmem_shared>> -> memref<128x8xf32, #tpu.memory_space<vmem_shared>>
      %dma_start3A_107 = arith.constant 0 : i32
      %dma_start3A_108 = tpu.memref_slice %arg18[%add3A_49, %dma_start3A_107] : memref<10240x8xf32, #tpu.memory_space<vmem_shared>> -> memref<128x8xf32, #tpu.memory_space<vmem_shared>>
      tpu.enqueue_dma source(%arg15 : memref<128x8xf32, #tpu.memory_space<vmem>>) target(%dma_start3A_108 : memref<128x8xf32, #tpu.memory_space<vmem_shared>>) target_semaphore(%run_scoped3A : memref<!tpu.dma_semaphore, #tpu.memory_space<semaphore_mem>>)
      %dma_wait3A_109 = arith.constant 0 : i32
      %dma_wait3A_110 = tpu.memref_slice %arg18[%add3A_49, %dma_wait3A_109] : memref<10240x8xf32, #tpu.memory_space<vmem_shared>> -> memref<128x8xf32, #tpu.memory_space<vmem_shared>>
      %dma_wait3A_111 = arith.constant 0 : i32
      %dma_wait3A_112 = tpu.memref_slice %arg18[%add3A_49, %dma_wait3A_111] : memref<10240x8xf32, #tpu.memory_space<vmem_shared>> -> memref<128x8xf32, #tpu.memory_space<vmem_shared>>
      tpu.wait_dma2 semaphore(%run_scoped3A : memref<!tpu.dma_semaphore, #tpu.memory_space<semaphore_mem>>) src(%arg15 : memref<128x8xf32, #tpu.memory_space<vmem>>) dst(%dma_wait3A_112 : memref<128x8xf32, #tpu.memory_space<vmem_shared>>)
      tpu.yield
    }) : () -> ()
    %add3A_50 = arith.constant 256 : i32
    %add3A_51 = arith.addi %mul3A_42, %add3A_50 : i32
    "tpu.region"() ({
      %run_scoped3A = tpu.sem_alloc : memref<!tpu.dma_semaphore, #tpu.memory_space<semaphore_mem>>
      %dma_start3A_105 = arith.constant 0 : i32
      %dma_start3A_106 = tpu.memref_slice %arg17[%add3A_51, %dma_start3A_105] : memref<10240x64xf32, #tpu.memory_space<vmem_shared>> -> memref<128x64xf32, #tpu.memory_space<vmem_shared>>
      %dma_start3A_107 = arith.constant 0 : i32
      %dma_start3A_108 = tpu.memref_slice %arg17[%add3A_51, %dma_start3A_107] : memref<10240x64xf32, #tpu.memory_space<vmem_shared>> -> memref<128x64xf32, #tpu.memory_space<vmem_shared>>
      tpu.enqueue_dma source(%arg14 : memref<128x64xf32, #tpu.memory_space<vmem>>) target(%dma_start3A_108 : memref<128x64xf32, #tpu.memory_space<vmem_shared>>) target_semaphore(%run_scoped3A : memref<!tpu.dma_semaphore, #tpu.memory_space<semaphore_mem>>)
      %dma_wait3A_109 = arith.constant 0 : i32
      %dma_wait3A_110 = tpu.memref_slice %arg17[%add3A_51, %dma_wait3A_109] : memref<10240x64xf32, #tpu.memory_space<vmem_shared>> -> memref<128x64xf32, #tpu.memory_space<vmem_shared>>
      %dma_wait3A_111 = arith.constant 0 : i32
      %dma_wait3A_112 = tpu.memref_slice %arg17[%add3A_51, %dma_wait3A_111] : memref<10240x64xf32, #tpu.memory_space<vmem_shared>> -> memref<128x64xf32, #tpu.memory_space<vmem_shared>>
      tpu.wait_dma2 semaphore(%run_scoped3A : memref<!tpu.dma_semaphore, #tpu.memory_space<semaphore_mem>>) src(%arg14 : memref<128x64xf32, #tpu.memory_space<vmem>>) dst(%dma_wait3A_112 : memref<128x64xf32, #tpu.memory_space<vmem_shared>>)
      tpu.yield
    }) : () -> ()
    %add3A_52 = arith.constant 256 : i32
    %add3A_53 = arith.addi %mul3A_42, %add3A_52 : i32
    "tpu.region"() ({
      %run_scoped3A = tpu.sem_alloc : memref<!tpu.dma_semaphore, #tpu.memory_space<semaphore_mem>>
      %dma_start3A_105 = arith.constant 0 : i32
      %dma_start3A_106 = tpu.memref_slice %arg18[%add3A_53, %dma_start3A_105] : memref<10240x8xf32, #tpu.memory_space<vmem_shared>> -> memref<128x8xf32, #tpu.memory_space<vmem_shared>>
      %dma_start3A_107 = arith.constant 0 : i32
      %dma_start3A_108 = tpu.memref_slice %arg18[%add3A_53, %dma_start3A_107] : memref<10240x8xf32, #tpu.memory_space<vmem_shared>> -> memref<128x8xf32, #tpu.memory_space<vmem_shared>>
      tpu.enqueue_dma source(%arg15 : memref<128x8xf32, #tpu.memory_space<vmem>>) target(%dma_start3A_108 : memref<128x8xf32, #tpu.memory_space<vmem_shared>>) target_semaphore(%run_scoped3A : memref<!tpu.dma_semaphore, #tpu.memory_space<semaphore_mem>>)
      %dma_wait3A_109 = arith.constant 0 : i32
      %dma_wait3A_110 = tpu.memref_slice %arg18[%add3A_53, %dma_wait3A_109] : memref<10240x8xf32, #tpu.memory_space<vmem_shared>> -> memref<128x8xf32, #tpu.memory_space<vmem_shared>>
      %dma_wait3A_111 = arith.constant 0 : i32
      %dma_wait3A_112 = tpu.memref_slice %arg18[%add3A_53, %dma_wait3A_111] : memref<10240x8xf32, #tpu.memory_space<vmem_shared>> -> memref<128x8xf32, #tpu.memory_space<vmem_shared>>
      tpu.wait_dma2 semaphore(%run_scoped3A : memref<!tpu.dma_semaphore, #tpu.memory_space<semaphore_mem>>) src(%arg15 : memref<128x8xf32, #tpu.memory_space<vmem>>) dst(%dma_wait3A_112 : memref<128x8xf32, #tpu.memory_space<vmem_shared>>)
      tpu.yield
    }) : () -> ()
    %add3A_54 = arith.constant 384 : i32
    %add3A_55 = arith.addi %mul3A_42, %add3A_54 : i32
    "tpu.region"() ({
      %run_scoped3A = tpu.sem_alloc : memref<!tpu.dma_semaphore, #tpu.memory_space<semaphore_mem>>
      %dma_start3A_105 = arith.constant 0 : i32
      %dma_start3A_106 = tpu.memref_slice %arg17[%add3A_55, %dma_start3A_105] : memref<10240x64xf32, #tpu.memory_space<vmem_shared>> -> memref<128x64xf32, #tpu.memory_space<vmem_shared>>
      %dma_start3A_107 = arith.constant 0 : i32
      %dma_start3A_108 = tpu.memref_slice %arg17[%add3A_55, %dma_start3A_107] : memref<10240x64xf32, #tpu.memory_space<vmem_shared>> -> memref<128x64xf32, #tpu.memory_space<vmem_shared>>
      tpu.enqueue_dma source(%arg14 : memref<128x64xf32, #tpu.memory_space<vmem>>) target(%dma_start3A_108 : memref<128x64xf32, #tpu.memory_space<vmem_shared>>) target_semaphore(%run_scoped3A : memref<!tpu.dma_semaphore, #tpu.memory_space<semaphore_mem>>)
      %dma_wait3A_109 = arith.constant 0 : i32
      %dma_wait3A_110 = tpu.memref_slice %arg17[%add3A_55, %dma_wait3A_109] : memref<10240x64xf32, #tpu.memory_space<vmem_shared>> -> memref<128x64xf32, #tpu.memory_space<vmem_shared>>
      %dma_wait3A_111 = arith.constant 0 : i32
      %dma_wait3A_112 = tpu.memref_slice %arg17[%add3A_55, %dma_wait3A_111] : memref<10240x64xf32, #tpu.memory_space<vmem_shared>> -> memref<128x64xf32, #tpu.memory_space<vmem_shared>>
      tpu.wait_dma2 semaphore(%run_scoped3A : memref<!tpu.dma_semaphore, #tpu.memory_space<semaphore_mem>>) src(%arg14 : memref<128x64xf32, #tpu.memory_space<vmem>>) dst(%dma_wait3A_112 : memref<128x64xf32, #tpu.memory_space<vmem_shared>>)
      tpu.yield
    }) : () -> ()
    %add3A_56 = arith.constant 384 : i32
    %add3A_57 = arith.addi %mul3A_42, %add3A_56 : i32
    "tpu.region"() ({
      %run_scoped3A = tpu.sem_alloc : memref<!tpu.dma_semaphore, #tpu.memory_space<semaphore_mem>>
      %dma_start3A_105 = arith.constant 0 : i32
      %dma_start3A_106 = tpu.memref_slice %arg18[%add3A_57, %dma_start3A_105] : memref<10240x8xf32, #tpu.memory_space<vmem_shared>> -> memref<128x8xf32, #tpu.memory_space<vmem_shared>>
      %dma_start3A_107 = arith.constant 0 : i32
      %dma_start3A_108 = tpu.memref_slice %arg18[%add3A_57, %dma_start3A_107] : memref<10240x8xf32, #tpu.memory_space<vmem_shared>> -> memref<128x8xf32, #tpu.memory_space<vmem_shared>>
      tpu.enqueue_dma source(%arg15 : memref<128x8xf32, #tpu.memory_space<vmem>>) target(%dma_start3A_108 : memref<128x8xf32, #tpu.memory_space<vmem_shared>>) target_semaphore(%run_scoped3A : memref<!tpu.dma_semaphore, #tpu.memory_space<semaphore_mem>>)
      %dma_wait3A_109 = arith.constant 0 : i32
      %dma_wait3A_110 = tpu.memref_slice %arg18[%add3A_57, %dma_wait3A_109] : memref<10240x8xf32, #tpu.memory_space<vmem_shared>> -> memref<128x8xf32, #tpu.memory_space<vmem_shared>>
      %dma_wait3A_111 = arith.constant 0 : i32
      %dma_wait3A_112 = tpu.memref_slice %arg18[%add3A_57, %dma_wait3A_111] : memref<10240x8xf32, #tpu.memory_space<vmem_shared>> -> memref<128x8xf32, #tpu.memory_space<vmem_shared>>
      tpu.wait_dma2 semaphore(%run_scoped3A : memref<!tpu.dma_semaphore, #tpu.memory_space<semaphore_mem>>) src(%arg15 : memref<128x8xf32, #tpu.memory_space<vmem>>) dst(%dma_wait3A_112 : memref<128x8xf32, #tpu.memory_space<vmem_shared>>)
      tpu.yield
    }) : () -> ()
    %add3A_58 = arith.constant 512 : i32
    %add3A_59 = arith.addi %mul3A_42, %add3A_58 : i32
    "tpu.region"() ({
      %run_scoped3A = tpu.sem_alloc : memref<!tpu.dma_semaphore, #tpu.memory_space<semaphore_mem>>
      %dma_start3A_105 = arith.constant 0 : i32
      %dma_start3A_106 = tpu.memref_slice %arg17[%add3A_59, %dma_start3A_105] : memref<10240x64xf32, #tpu.memory_space<vmem_shared>> -> memref<128x64xf32, #tpu.memory_space<vmem_shared>>
      %dma_start3A_107 = arith.constant 0 : i32
      %dma_start3A_108 = tpu.memref_slice %arg17[%add3A_59, %dma_start3A_107] : memref<10240x64xf32, #tpu.memory_space<vmem_shared>> -> memref<128x64xf32, #tpu.memory_space<vmem_shared>>
      tpu.enqueue_dma source(%arg14 : memref<128x64xf32, #tpu.memory_space<vmem>>) target(%dma_start3A_108 : memref<128x64xf32, #tpu.memory_space<vmem_shared>>) target_semaphore(%run_scoped3A : memref<!tpu.dma_semaphore, #tpu.memory_space<semaphore_mem>>)
      %dma_wait3A_109 = arith.constant 0 : i32
      %dma_wait3A_110 = tpu.memref_slice %arg17[%add3A_59, %dma_wait3A_109] : memref<10240x64xf32, #tpu.memory_space<vmem_shared>> -> memref<128x64xf32, #tpu.memory_space<vmem_shared>>
      %dma_wait3A_111 = arith.constant 0 : i32
      %dma_wait3A_112 = tpu.memref_slice %arg17[%add3A_59, %dma_wait3A_111] : memref<10240x64xf32, #tpu.memory_space<vmem_shared>> -> memref<128x64xf32, #tpu.memory_space<vmem_shared>>
      tpu.wait_dma2 semaphore(%run_scoped3A : memref<!tpu.dma_semaphore, #tpu.memory_space<semaphore_mem>>) src(%arg14 : memref<128x64xf32, #tpu.memory_space<vmem>>) dst(%dma_wait3A_112 : memref<128x64xf32, #tpu.memory_space<vmem_shared>>)
      tpu.yield
    }) : () -> ()
    %add3A_60 = arith.constant 512 : i32
    %add3A_61 = arith.addi %mul3A_42, %add3A_60 : i32
    "tpu.region"() ({
      %run_scoped3A = tpu.sem_alloc : memref<!tpu.dma_semaphore, #tpu.memory_space<semaphore_mem>>
      %dma_start3A_105 = arith.constant 0 : i32
      %dma_start3A_106 = tpu.memref_slice %arg18[%add3A_61, %dma_start3A_105] : memref<10240x8xf32, #tpu.memory_space<vmem_shared>> -> memref<128x8xf32, #tpu.memory_space<vmem_shared>>
      %dma_start3A_107 = arith.constant 0 : i32
      %dma_start3A_108 = tpu.memref_slice %arg18[%add3A_61, %dma_start3A_107] : memref<10240x8xf32, #tpu.memory_space<vmem_shared>> -> memref<128x8xf32, #tpu.memory_space<vmem_shared>>
      tpu.enqueue_dma source(%arg15 : memref<128x8xf32, #tpu.memory_space<vmem>>) target(%dma_start3A_108 : memref<128x8xf32, #tpu.memory_space<vmem_shared>>) target_semaphore(%run_scoped3A : memref<!tpu.dma_semaphore, #tpu.memory_space<semaphore_mem>>)
      %dma_wait3A_109 = arith.constant 0 : i32
      %dma_wait3A_110 = tpu.memref_slice %arg18[%add3A_61, %dma_wait3A_109] : memref<10240x8xf32, #tpu.memory_space<vmem_shared>> -> memref<128x8xf32, #tpu.memory_space<vmem_shared>>
      %dma_wait3A_111 = arith.constant 0 : i32
      %dma_wait3A_112 = tpu.memref_slice %arg18[%add3A_61, %dma_wait3A_111] : memref<10240x8xf32, #tpu.memory_space<vmem_shared>> -> memref<128x8xf32, #tpu.memory_space<vmem_shared>>
      tpu.wait_dma2 semaphore(%run_scoped3A : memref<!tpu.dma_semaphore, #tpu.memory_space<semaphore_mem>>) src(%arg15 : memref<128x8xf32, #tpu.memory_space<vmem>>) dst(%dma_wait3A_112 : memref<128x8xf32, #tpu.memory_space<vmem_shared>>)
      tpu.yield
    }) : () -> ()
    %barrier3A = arith.constant 0 : index
    tpu.barrier barrier_id(%barrier3A)
    %scan3A = arith.constant 0 : i32
    %scan3A_62 = arith.constant 0 : i32
    %scan3A_63 = arith.constant 53 : i32
    %scan3A_64 = arith.addi %scan3A_62, %scan3A_63 : i32
    %scan3A_65 = arith.constant 1 : i32
    scf.for %scan3A_105 = %scan3A_62 to %scan3A_64 step %scan3A_65  : i32 {
      %mul3A_106 = arith.constant 3 : i32
      %mul3A_107 = arith.muli %mul3A_106, %scan3A_105 : i32
      %add3A_108 = arith.constant 0 : i32
      %add3A_109 = arith.addi %mul3A_107, %add3A_108 : i32
      %dma_wait3A_110 = arith.constant 0 : i32
      %dma_wait3A_111 = arith.constant 0 : i32
      %dma_wait3A_112 = arith.constant 0 : i32
      %dma_wait3A_113 = arith.constant 0 : i32
      %dma_wait3A_114 = tpu.memref_slice %arg13[%dma_wait3A_111, %dma_wait3A_112, %dma_wait3A_113] : memref<3x128x64xf32, #tpu.memory_space<vmem>> -> memref<1x128x64xf32, #tpu.memory_space<vmem>>
      %dma_wait3A_115 = tpu.memref_squeeze %dma_wait3A_114 : memref<1x128x64xf32, #tpu.memory_space<vmem>> -> memref<128x64xf32, #tpu.memory_space<vmem>>
      %dma_wait3A_116 = arith.constant 0 : i32
      %dma_wait3A_117 = tpu.memref_slice %arg11[%dma_wait3A_110, %dma_wait3A_116] : memref<159x128xi32, #tpu.memory_space<vmem>> -> memref<1x128xi32, #tpu.memory_space<vmem>>
      %dma_wait3A_118 = tpu.memref_squeeze %dma_wait3A_117 : memref<1x128xi32, #tpu.memory_space<vmem>> -> memref<128xi32, #tpu.memory_space<vmem>>
      %dma_wait3A_119 = arith.constant 0 : i32
      %dma_wait3A_120 = arith.constant 0 : i32
      %dma_wait3A_121 = tpu.memref_slice %arg2[%dma_wait3A_119, %dma_wait3A_120] : memref<20000x64xf32, #tpu.memory_space<hbm>> -> memref<20000x64xf32, #tpu.memory_space<hbm>>
      tpu.wait_indirect_dma semaphore(%arg19 : memref<!tpu.dma_semaphore, #tpu.memory_space<semaphore_mem>>) src(%dma_wait3A_121 : memref<20000x64xf32, #tpu.memory_space<hbm>>) dst(%dma_wait3A_115 : memref<128x64xf32, #tpu.memory_space<vmem>>)
      %dma_start3A_122 = arith.constant 0 : i32
      %dma_start3A_123 = arith.constant 0 : i32
      %dma_start3A_124 = arith.constant 0 : i32
      %dma_start3A_125 = tpu.memref_slice %arg13[%dma_start3A_122, %dma_start3A_123, %dma_start3A_124] : memref<3x128x64xf32, #tpu.memory_space<vmem>> -> memref<1x128x64xf32, #tpu.memory_space<vmem>>
      %dma_start3A_126 = tpu.memref_squeeze %dma_start3A_125 : memref<1x128x64xf32, #tpu.memory_space<vmem>> -> memref<128x64xf32, #tpu.memory_space<vmem>>
      %dma_start3A_127 = arith.constant 0 : i32
      %dma_start3A_128 = tpu.memref_slice %arg12[%add3A_109, %dma_start3A_127] : memref<159x128xi32, #tpu.memory_space<vmem>> -> memref<1x128xi32, #tpu.memory_space<vmem>>
      %dma_start3A_129 = tpu.memref_squeeze %dma_start3A_128 : memref<1x128xi32, #tpu.memory_space<vmem>> -> memref<128xi32, #tpu.memory_space<vmem>>
      %dma_start3A_130 = arith.constant 0 : i32
      %dma_start3A_131 = arith.constant 0 : i32
      %dma_start3A_132 = tpu.memref_slice %arg17[%dma_start3A_130, %dma_start3A_131] : memref<10240x64xf32, #tpu.memory_space<vmem_shared>> -> memref<10240x64xf32, #tpu.memory_space<vmem_shared>>
      tpu.enqueue_indirect_dma source(%dma_start3A_126 : memref<128x64xf32, #tpu.memory_space<vmem>>) target(%dma_start3A_132 : memref<10240x64xf32, #tpu.memory_space<vmem_shared>>) offsets(%dma_start3A_129 : memref<128xi32, #tpu.memory_space<vmem>>) semaphore(%arg22 : memref<!tpu.dma_semaphore, #tpu.memory_space<semaphore_mem>>) {add = true}
      %rem3A = arith.constant 2 : i32
      %rem3A_133 = arith.remsi %add3A_109, %rem3A : i32
      %eq3A_134 = arith.cmpi eq, %rem3A_133, %arg0 : i32
      %convert_element_type3A_135 = arith.extui %eq3A_134 : i1 to i32
      %cond3A_136 = arith.constant 0 : i32
      %cond3A_137 = arith.cmpi ne, %convert_element_type3A_135, %cond3A_136 : i32
      scf.if %cond3A_137 {
        %dma_start3A_302 = arith.constant 0 : i32
        %dma_start3A_303 = tpu.memref_slice %arg12[%add3A_109, %dma_start3A_302] : memref<159x128xi32, #tpu.memory_space<vmem>> -> memref<1x128xi32, #tpu.memory_space<vmem>>
        %dma_start3A_304 = tpu.memref_squeeze %dma_start3A_303 : memref<1x128xi32, #tpu.memory_space<vmem>> -> memref<128xi32, #tpu.memory_space<vmem>>
        %dma_start3A_305 = arith.constant 0 : i32
        %dma_start3A_306 = arith.constant 0 : i32
        %dma_start3A_307 = tpu.memref_slice %arg18[%dma_start3A_305, %dma_start3A_306] : memref<10240x8xf32, #tpu.memory_space<vmem_shared>> -> memref<10240x8xf32, #tpu.memory_space<vmem_shared>>
        tpu.enqueue_indirect_dma source(%arg16 : memref<128x8xf32, #tpu.memory_space<vmem>>) target(%dma_start3A_307 : memref<10240x8xf32, #tpu.memory_space<vmem_shared>>) offsets(%dma_start3A_304 : memref<128xi32, #tpu.memory_space<vmem>>) semaphore(%arg25 : memref<!tpu.dma_semaphore, #tpu.memory_space<semaphore_mem>>) {add = true}
      } else {
      }
      %dma_wait3A_138 = arith.constant 0 : i32
      %dma_wait3A_139 = arith.constant 0 : i32
      %dma_wait3A_140 = arith.constant 0 : i32
      %dma_wait3A_141 = arith.constant 0 : i32
      %dma_wait3A_142 = tpu.memref_slice %arg13[%dma_wait3A_138, %dma_wait3A_140, %dma_wait3A_141] : memref<3x128x64xf32, #tpu.memory_space<vmem>> -> memref<1x128x64xf32, #tpu.memory_space<vmem>>
      %dma_wait3A_143 = tpu.memref_squeeze %dma_wait3A_142 : memref<1x128x64xf32, #tpu.memory_space<vmem>> -> memref<128x64xf32, #tpu.memory_space<vmem>>
      %dma_wait3A_144 = arith.constant 0 : i32
      %dma_wait3A_145 = tpu.memref_slice %arg12[%dma_wait3A_139, %dma_wait3A_144] : memref<159x128xi32, #tpu.memory_space<vmem>> -> memref<1x128xi32, #tpu.memory_space<vmem>>
      %dma_wait3A_146 = tpu.memref_squeeze %dma_wait3A_145 : memref<1x128xi32, #tpu.memory_space<vmem>> -> memref<128xi32, #tpu.memory_space<vmem>>
      %dma_wait3A_147 = arith.constant 0 : i32
      %dma_wait3A_148 = arith.constant 0 : i32
      %dma_wait3A_149 = tpu.memref_slice %arg17[%dma_wait3A_147, %dma_wait3A_148] : memref<10240x64xf32, #tpu.memory_space<vmem_shared>> -> memref<10240x64xf32, #tpu.memory_space<vmem_shared>>
      tpu.wait_indirect_dma semaphore(%arg22 : memref<!tpu.dma_semaphore, #tpu.memory_space<semaphore_mem>>) src(%dma_wait3A_143 : memref<128x64xf32, #tpu.memory_space<vmem>>) dst(%dma_wait3A_149 : memref<10240x64xf32, #tpu.memory_space<vmem_shared>>)
      %rem3A_150 = arith.constant 2 : i32
      %rem3A_151 = arith.remsi %add3A_109, %rem3A_150 : i32
      %eq3A_152 = arith.cmpi eq, %rem3A_151, %arg0 : i32
      %convert_element_type3A_153 = arith.extui %eq3A_152 : i1 to i32
      %cond3A_154 = arith.constant 0 : i32
      %cond3A_155 = arith.cmpi ne, %convert_element_type3A_153, %cond3A_154 : i32
      scf.if %cond3A_155 {
        %dma_wait3A_302 = arith.constant 0 : i32
        %dma_wait3A_303 = arith.constant 0 : i32
        %dma_wait3A_304 = tpu.memref_slice %arg12[%dma_wait3A_302, %dma_wait3A_303] : memref<159x128xi32, #tpu.memory_space<vmem>> -> memref<1x128xi32, #tpu.memory_space<vmem>>
        %dma_wait3A_305 = tpu.memref_squeeze %dma_wait3A_304 : memref<1x128xi32, #tpu.memory_space<vmem>> -> memref<128xi32, #tpu.memory_space<vmem>>
        %dma_wait3A_306 = arith.constant 0 : i32
        %dma_wait3A_307 = arith.constant 0 : i32
        %dma_wait3A_308 = tpu.memref_slice %arg18[%dma_wait3A_306, %dma_wait3A_307] : memref<10240x8xf32, #tpu.memory_space<vmem_shared>> -> memref<10240x8xf32, #tpu.memory_space<vmem_shared>>
        tpu.wait_indirect_dma semaphore(%arg25 : memref<!tpu.dma_semaphore, #tpu.memory_space<semaphore_mem>>) src(%arg16 : memref<128x8xf32, #tpu.memory_space<vmem>>) dst(%dma_wait3A_308 : memref<10240x8xf32, #tpu.memory_space<vmem_shared>>)
      } else {
      }
      %add3A_156 = arith.constant 3 : i32
      %add3A_157 = arith.addi %add3A_109, %add3A_156 : i32
      %min3A = arith.constant 158 : i32
      %min3A_158 = arith.minsi %add3A_157, %min3A : i32
      %dma_start3A_159 = arith.constant 0 : i32
      %dma_start3A_160 = arith.constant 0 : i32
      %dma_start3A_161 = arith.constant 0 : i32
      %dma_start3A_162 = tpu.memref_slice %arg13[%dma_start3A_159, %dma_start3A_160, %dma_start3A_161] : memref<3x128x64xf32, #tpu.memory_space<vmem>> -> memref<1x128x64xf32, #tpu.memory_space<vmem>>
      %dma_start3A_163 = tpu.memref_squeeze %dma_start3A_162 : memref<1x128x64xf32, #tpu.memory_space<vmem>> -> memref<128x64xf32, #tpu.memory_space<vmem>>
      %dma_start3A_164 = arith.constant 0 : i32
      %dma_start3A_165 = tpu.memref_slice %arg11[%min3A_158, %dma_start3A_164] : memref<159x128xi32, #tpu.memory_space<vmem>> -> memref<1x128xi32, #tpu.memory_space<vmem>>
      %dma_start3A_166 = tpu.memref_squeeze %dma_start3A_165 : memref<1x128xi32, #tpu.memory_space<vmem>> -> memref<128xi32, #tpu.memory_space<vmem>>
      %dma_start3A_167 = arith.constant 0 : i32
      %dma_start3A_168 = arith.constant 0 : i32
      %dma_start3A_169 = tpu.memref_slice %arg2[%dma_start3A_167, %dma_start3A_168] : memref<20000x64xf32, #tpu.memory_space<hbm>> -> memref<20000x64xf32, #tpu.memory_space<hbm>>
      tpu.enqueue_indirect_dma source(%dma_start3A_169 : memref<20000x64xf32, #tpu.memory_space<hbm>>) target(%dma_start3A_163 : memref<128x64xf32, #tpu.memory_space<vmem>>) offsets(%dma_start3A_166 : memref<128xi32, #tpu.memory_space<vmem>>) semaphore(%arg19 : memref<!tpu.dma_semaphore, #tpu.memory_space<semaphore_mem>>)
      %mul3A_170 = arith.constant 3 : i32
      %mul3A_171 = arith.muli %mul3A_170, %scan3A_105 : i32
      %add3A_172 = arith.constant 1 : i32
      %add3A_173 = arith.addi %mul3A_171, %add3A_172 : i32
      %dma_wait3A_174 = arith.constant 0 : i32
      %dma_wait3A_175 = arith.constant 1 : i32
      %dma_wait3A_176 = arith.constant 0 : i32
      %dma_wait3A_177 = arith.constant 0 : i32
      %dma_wait3A_178 = tpu.memref_slice %arg13[%dma_wait3A_175, %dma_wait3A_176, %dma_wait3A_177] : memref<3x128x64xf32, #tpu.memory_space<vmem>> -> memref<1x128x64xf32, #tpu.memory_space<vmem>>
      %dma_wait3A_179 = tpu.memref_squeeze %dma_wait3A_178 : memref<1x128x64xf32, #tpu.memory_space<vmem>> -> memref<128x64xf32, #tpu.memory_space<vmem>>
      %dma_wait3A_180 = arith.constant 0 : i32
      %dma_wait3A_181 = tpu.memref_slice %arg11[%dma_wait3A_174, %dma_wait3A_180] : memref<159x128xi32, #tpu.memory_space<vmem>> -> memref<1x128xi32, #tpu.memory_space<vmem>>
      %dma_wait3A_182 = tpu.memref_squeeze %dma_wait3A_181 : memref<1x128xi32, #tpu.memory_space<vmem>> -> memref<128xi32, #tpu.memory_space<vmem>>
      %dma_wait3A_183 = arith.constant 0 : i32
      %dma_wait3A_184 = arith.constant 0 : i32
      %dma_wait3A_185 = tpu.memref_slice %arg2[%dma_wait3A_183, %dma_wait3A_184] : memref<20000x64xf32, #tpu.memory_space<hbm>> -> memref<20000x64xf32, #tpu.memory_space<hbm>>
      tpu.wait_indirect_dma semaphore(%arg20 : memref<!tpu.dma_semaphore, #tpu.memory_space<semaphore_mem>>) src(%dma_wait3A_185 : memref<20000x64xf32, #tpu.memory_space<hbm>>) dst(%dma_wait3A_179 : memref<128x64xf32, #tpu.memory_space<vmem>>)
      %dma_start3A_186 = arith.constant 1 : i32
      %dma_start3A_187 = arith.constant 0 : i32
      %dma_start3A_188 = arith.constant 0 : i32
      %dma_start3A_189 = tpu.memref_slice %arg13[%dma_start3A_186, %dma_start3A_187, %dma_start3A_188] : memref<3x128x64xf32, #tpu.memory_space<vmem>> -> memref<1x128x64xf32, #tpu.memory_space<vmem>>
      %dma_start3A_190 = tpu.memref_squeeze %dma_start3A_189 : memref<1x128x64xf32, #tpu.memory_space<vmem>> -> memref<128x64xf32, #tpu.memory_space<vmem>>
      %dma_start3A_191 = arith.constant 0 : i32
      %dma_start3A_192 = tpu.memref_slice %arg12[%add3A_173, %dma_start3A_191] : memref<159x128xi32, #tpu.memory_space<vmem>> -> memref<1x128xi32, #tpu.memory_space<vmem>>
      %dma_start3A_193 = tpu.memref_squeeze %dma_start3A_192 : memref<1x128xi32, #tpu.memory_space<vmem>> -> memref<128xi32, #tpu.memory_space<vmem>>
      %dma_start3A_194 = arith.constant 0 : i32
      %dma_start3A_195 = arith.constant 0 : i32
      %dma_start3A_196 = tpu.memref_slice %arg17[%dma_start3A_194, %dma_start3A_195] : memref<10240x64xf32, #tpu.memory_space<vmem_shared>> -> memref<10240x64xf32, #tpu.memory_space<vmem_shared>>
      tpu.enqueue_indirect_dma source(%dma_start3A_190 : memref<128x64xf32, #tpu.memory_space<vmem>>) target(%dma_start3A_196 : memref<10240x64xf32, #tpu.memory_space<vmem_shared>>) offsets(%dma_start3A_193 : memref<128xi32, #tpu.memory_space<vmem>>) semaphore(%arg23 : memref<!tpu.dma_semaphore, #tpu.memory_space<semaphore_mem>>) {add = true}
      %rem3A_197 = arith.constant 2 : i32
      %rem3A_198 = arith.remsi %add3A_173, %rem3A_197 : i32
      %eq3A_199 = arith.cmpi eq, %rem3A_198, %arg0 : i32
      %convert_element_type3A_200 = arith.extui %eq3A_199 : i1 to i32
      %cond3A_201 = arith.constant 0 : i32
      %cond3A_202 = arith.cmpi ne, %convert_element_type3A_200, %cond3A_201 : i32
      scf.if %cond3A_202 {
        %dma_start3A_302 = arith.constant 0 : i32
        %dma_start3A_303 = tpu.memref_slice %arg12[%add3A_173, %dma_start3A_302] : memref<159x128xi32, #tpu.memory_space<vmem>> -> memref<1x128xi32, #tpu.memory_space<vmem>>
        %dma_start3A_304 = tpu.memref_squeeze %dma_start3A_303 : memref<1x128xi32, #tpu.memory_space<vmem>> -> memref<128xi32, #tpu.memory_space<vmem>>
        %dma_start3A_305 = arith.constant 0 : i32
        %dma_start3A_306 = arith.constant 0 : i32
        %dma_start3A_307 = tpu.memref_slice %arg18[%dma_start3A_305, %dma_start3A_306] : memref<10240x8xf32, #tpu.memory_space<vmem_shared>> -> memref<10240x8xf32, #tpu.memory_space<vmem_shared>>
        tpu.enqueue_indirect_dma source(%arg16 : memref<128x8xf32, #tpu.memory_space<vmem>>) target(%dma_start3A_307 : memref<10240x8xf32, #tpu.memory_space<vmem_shared>>) offsets(%dma_start3A_304 : memref<128xi32, #tpu.memory_space<vmem>>) semaphore(%arg26 : memref<!tpu.dma_semaphore, #tpu.memory_space<semaphore_mem>>) {add = true}
      } else {
      }
      %dma_wait3A_203 = arith.constant 1 : i32
      %dma_wait3A_204 = arith.constant 0 : i32
      %dma_wait3A_205 = arith.constant 0 : i32
      %dma_wait3A_206 = arith.constant 0 : i32
      %dma_wait3A_207 = tpu.memref_slice %arg13[%dma_wait3A_203, %dma_wait3A_205, %dma_wait3A_206] : memref<3x128x64xf32, #tpu.memory_space<vmem>> -> memref<1x128x64xf32, #tpu.memory_space<vmem>>
      %dma_wait3A_208 = tpu.memref_squeeze %dma_wait3A_207 : memref<1x128x64xf32, #tpu.memory_space<vmem>> -> memref<128x64xf32, #tpu.memory_space<vmem>>
      %dma_wait3A_209 = arith.constant 0 : i32
      %dma_wait3A_210 = tpu.memref_slice %arg12[%dma_wait3A_204, %dma_wait3A_209] : memref<159x128xi32, #tpu.memory_space<vmem>> -> memref<1x128xi32, #tpu.memory_space<vmem>>
      %dma_wait3A_211 = tpu.memref_squeeze %dma_wait3A_210 : memref<1x128xi32, #tpu.memory_space<vmem>> -> memref<128xi32, #tpu.memory_space<vmem>>
      %dma_wait3A_212 = arith.constant 0 : i32
      %dma_wait3A_213 = arith.constant 0 : i32
      %dma_wait3A_214 = tpu.memref_slice %arg17[%dma_wait3A_212, %dma_wait3A_213] : memref<10240x64xf32, #tpu.memory_space<vmem_shared>> -> memref<10240x64xf32, #tpu.memory_space<vmem_shared>>
      tpu.wait_indirect_dma semaphore(%arg23 : memref<!tpu.dma_semaphore, #tpu.memory_space<semaphore_mem>>) src(%dma_wait3A_208 : memref<128x64xf32, #tpu.memory_space<vmem>>) dst(%dma_wait3A_214 : memref<10240x64xf32, #tpu.memory_space<vmem_shared>>)
      %rem3A_215 = arith.constant 2 : i32
      %rem3A_216 = arith.remsi %add3A_173, %rem3A_215 : i32
      %eq3A_217 = arith.cmpi eq, %rem3A_216, %arg0 : i32
      %convert_element_type3A_218 = arith.extui %eq3A_217 : i1 to i32
      %cond3A_219 = arith.constant 0 : i32
      %cond3A_220 = arith.cmpi ne, %convert_element_type3A_218, %cond3A_219 : i32
      scf.if %cond3A_220 {
        %dma_wait3A_302 = arith.constant 0 : i32
        %dma_wait3A_303 = arith.constant 0 : i32
        %dma_wait3A_304 = tpu.memref_slice %arg12[%dma_wait3A_302, %dma_wait3A_303] : memref<159x128xi32, #tpu.memory_space<vmem>> -> memref<1x128xi32, #tpu.memory_space<vmem>>
        %dma_wait3A_305 = tpu.memref_squeeze %dma_wait3A_304 : memref<1x128xi32, #tpu.memory_space<vmem>> -> memref<128xi32, #tpu.memory_space<vmem>>
        %dma_wait3A_306 = arith.constant 0 : i32
        %dma_wait3A_307 = arith.constant 0 : i32
        %dma_wait3A_308 = tpu.memref_slice %arg18[%dma_wait3A_306, %dma_wait3A_307] : memref<10240x8xf32, #tpu.memory_space<vmem_shared>> -> memref<10240x8xf32, #tpu.memory_space<vmem_shared>>
        tpu.wait_indirect_dma semaphore(%arg26 : memref<!tpu.dma_semaphore, #tpu.memory_space<semaphore_mem>>) src(%arg16 : memref<128x8xf32, #tpu.memory_space<vmem>>) dst(%dma_wait3A_308 : memref<10240x8xf32, #tpu.memory_space<vmem_shared>>)
      } else {
      }
      %add3A_221 = arith.constant 3 : i32
      %add3A_222 = arith.addi %add3A_173, %add3A_221 : i32
      %min3A_223 = arith.constant 158 : i32
      %min3A_224 = arith.minsi %add3A_222, %min3A_223 : i32
      %dma_start3A_225 = arith.constant 1 : i32
      %dma_start3A_226 = arith.constant 0 : i32
      %dma_start3A_227 = arith.constant 0 : i32
      %dma_start3A_228 = tpu.memref_slice %arg13[%dma_start3A_225, %dma_start3A_226, %dma_start3A_227] : memref<3x128x64xf32, #tpu.memory_space<vmem>> -> memref<1x128x64xf32, #tpu.memory_space<vmem>>
      %dma_start3A_229 = tpu.memref_squeeze %dma_start3A_228 : memref<1x128x64xf32, #tpu.memory_space<vmem>> -> memref<128x64xf32, #tpu.memory_space<vmem>>
      %dma_start3A_230 = arith.constant 0 : i32
      %dma_start3A_231 = tpu.memref_slice %arg11[%min3A_224, %dma_start3A_230] : memref<159x128xi32, #tpu.memory_space<vmem>> -> memref<1x128xi32, #tpu.memory_space<vmem>>
      %dma_start3A_232 = tpu.memref_squeeze %dma_start3A_231 : memref<1x128xi32, #tpu.memory_space<vmem>> -> memref<128xi32, #tpu.memory_space<vmem>>
      %dma_start3A_233 = arith.constant 0 : i32
      %dma_start3A_234 = arith.constant 0 : i32
      %dma_start3A_235 = tpu.memref_slice %arg2[%dma_start3A_233, %dma_start3A_234] : memref<20000x64xf32, #tpu.memory_space<hbm>> -> memref<20000x64xf32, #tpu.memory_space<hbm>>
      tpu.enqueue_indirect_dma source(%dma_start3A_235 : memref<20000x64xf32, #tpu.memory_space<hbm>>) target(%dma_start3A_229 : memref<128x64xf32, #tpu.memory_space<vmem>>) offsets(%dma_start3A_232 : memref<128xi32, #tpu.memory_space<vmem>>) semaphore(%arg20 : memref<!tpu.dma_semaphore, #tpu.memory_space<semaphore_mem>>)
      %mul3A_236 = arith.constant 3 : i32
      %mul3A_237 = arith.muli %mul3A_236, %scan3A_105 : i32
      %add3A_238 = arith.constant 2 : i32
      %add3A_239 = arith.addi %mul3A_237, %add3A_238 : i32
      %dma_wait3A_240 = arith.constant 0 : i32
      %dma_wait3A_241 = arith.constant 2 : i32
      %dma_wait3A_242 = arith.constant 0 : i32
      %dma_wait3A_243 = arith.constant 0 : i32
      %dma_wait3A_244 = tpu.memref_slice %arg13[%dma_wait3A_241, %dma_wait3A_242, %dma_wait3A_243] : memref<3x128x64xf32, #tpu.memory_space<vmem>> -> memref<1x128x64xf32, #tpu.memory_space<vmem>>
      %dma_wait3A_245 = tpu.memref_squeeze %dma_wait3A_244 : memref<1x128x64xf32, #tpu.memory_space<vmem>> -> memref<128x64xf32, #tpu.memory_space<vmem>>
      %dma_wait3A_246 = arith.constant 0 : i32
      %dma_wait3A_247 = tpu.memref_slice %arg11[%dma_wait3A_240, %dma_wait3A_246] : memref<159x128xi32, #tpu.memory_space<vmem>> -> memref<1x128xi32, #tpu.memory_space<vmem>>
      %dma_wait3A_248 = tpu.memref_squeeze %dma_wait3A_247 : memref<1x128xi32, #tpu.memory_space<vmem>> -> memref<128xi32, #tpu.memory_space<vmem>>
      %dma_wait3A_249 = arith.constant 0 : i32
      %dma_wait3A_250 = arith.constant 0 : i32
      %dma_wait3A_251 = tpu.memref_slice %arg2[%dma_wait3A_249, %dma_wait3A_250] : memref<20000x64xf32, #tpu.memory_space<hbm>> -> memref<20000x64xf32, #tpu.memory_space<hbm>>
      tpu.wait_indirect_dma semaphore(%arg21 : memref<!tpu.dma_semaphore, #tpu.memory_space<semaphore_mem>>) src(%dma_wait3A_251 : memref<20000x64xf32, #tpu.memory_space<hbm>>) dst(%dma_wait3A_245 : memref<128x64xf32, #tpu.memory_space<vmem>>)
      %dma_start3A_252 = arith.constant 2 : i32
      %dma_start3A_253 = arith.constant 0 : i32
      %dma_start3A_254 = arith.constant 0 : i32
      %dma_start3A_255 = tpu.memref_slice %arg13[%dma_start3A_252, %dma_start3A_253, %dma_start3A_254] : memref<3x128x64xf32, #tpu.memory_space<vmem>> -> memref<1x128x64xf32, #tpu.memory_space<vmem>>
      %dma_start3A_256 = tpu.memref_squeeze %dma_start3A_255 : memref<1x128x64xf32, #tpu.memory_space<vmem>> -> memref<128x64xf32, #tpu.memory_space<vmem>>
      %dma_start3A_257 = arith.constant 0 : i32
      %dma_start3A_258 = tpu.memref_slice %arg12[%add3A_239, %dma_start3A_257] : memref<159x128xi32, #tpu.memory_space<vmem>> -> memref<1x128xi32, #tpu.memory_space<vmem>>
      %dma_start3A_259 = tpu.memref_squeeze %dma_start3A_258 : memref<1x128xi32, #tpu.memory_space<vmem>> -> memref<128xi32, #tpu.memory_space<vmem>>
      %dma_start3A_260 = arith.constant 0 : i32
      %dma_start3A_261 = arith.constant 0 : i32
      %dma_start3A_262 = tpu.memref_slice %arg17[%dma_start3A_260, %dma_start3A_261] : memref<10240x64xf32, #tpu.memory_space<vmem_shared>> -> memref<10240x64xf32, #tpu.memory_space<vmem_shared>>
      tpu.enqueue_indirect_dma source(%dma_start3A_256 : memref<128x64xf32, #tpu.memory_space<vmem>>) target(%dma_start3A_262 : memref<10240x64xf32, #tpu.memory_space<vmem_shared>>) offsets(%dma_start3A_259 : memref<128xi32, #tpu.memory_space<vmem>>) semaphore(%arg24 : memref<!tpu.dma_semaphore, #tpu.memory_space<semaphore_mem>>) {add = true}
      %rem3A_263 = arith.constant 2 : i32
      %rem3A_264 = arith.remsi %add3A_239, %rem3A_263 : i32
      %eq3A_265 = arith.cmpi eq, %rem3A_264, %arg0 : i32
      %convert_element_type3A_266 = arith.extui %eq3A_265 : i1 to i32
      %cond3A_267 = arith.constant 0 : i32
      %cond3A_268 = arith.cmpi ne, %convert_element_type3A_266, %cond3A_267 : i32
      scf.if %cond3A_268 {
        %dma_start3A_302 = arith.constant 0 : i32
        %dma_start3A_303 = tpu.memref_slice %arg12[%add3A_239, %dma_start3A_302] : memref<159x128xi32, #tpu.memory_space<vmem>> -> memref<1x128xi32, #tpu.memory_space<vmem>>
        %dma_start3A_304 = tpu.memref_squeeze %dma_start3A_303 : memref<1x128xi32, #tpu.memory_space<vmem>> -> memref<128xi32, #tpu.memory_space<vmem>>
        %dma_start3A_305 = arith.constant 0 : i32
        %dma_start3A_306 = arith.constant 0 : i32
        %dma_start3A_307 = tpu.memref_slice %arg18[%dma_start3A_305, %dma_start3A_306] : memref<10240x8xf32, #tpu.memory_space<vmem_shared>> -> memref<10240x8xf32, #tpu.memory_space<vmem_shared>>
        tpu.enqueue_indirect_dma source(%arg16 : memref<128x8xf32, #tpu.memory_space<vmem>>) target(%dma_start3A_307 : memref<10240x8xf32, #tpu.memory_space<vmem_shared>>) offsets(%dma_start3A_304 : memref<128xi32, #tpu.memory_space<vmem>>) semaphore(%arg27 : memref<!tpu.dma_semaphore, #tpu.memory_space<semaphore_mem>>) {add = true}
      } else {
      }
      %dma_wait3A_269 = arith.constant 2 : i32
      %dma_wait3A_270 = arith.constant 0 : i32
      %dma_wait3A_271 = arith.constant 0 : i32
      %dma_wait3A_272 = arith.constant 0 : i32
      %dma_wait3A_273 = tpu.memref_slice %arg13[%dma_wait3A_269, %dma_wait3A_271, %dma_wait3A_272] : memref<3x128x64xf32, #tpu.memory_space<vmem>> -> memref<1x128x64xf32, #tpu.memory_space<vmem>>
      %dma_wait3A_274 = tpu.memref_squeeze %dma_wait3A_273 : memref<1x128x64xf32, #tpu.memory_space<vmem>> -> memref<128x64xf32, #tpu.memory_space<vmem>>
      %dma_wait3A_275 = arith.constant 0 : i32
      %dma_wait3A_276 = tpu.memref_slice %arg12[%dma_wait3A_270, %dma_wait3A_275] : memref<159x128xi32, #tpu.memory_space<vmem>> -> memref<1x128xi32, #tpu.memory_space<vmem>>
      %dma_wait3A_277 = tpu.memref_squeeze %dma_wait3A_276 : memref<1x128xi32, #tpu.memory_space<vmem>> -> memref<128xi32, #tpu.memory_space<vmem>>
      %dma_wait3A_278 = arith.constant 0 : i32
      %dma_wait3A_279 = arith.constant 0 : i32
      %dma_wait3A_280 = tpu.memref_slice %arg17[%dma_wait3A_278, %dma_wait3A_279] : memref<10240x64xf32, #tpu.memory_space<vmem_shared>> -> memref<10240x64xf32, #tpu.memory_space<vmem_shared>>
      tpu.wait_indirect_dma semaphore(%arg24 : memref<!tpu.dma_semaphore, #tpu.memory_space<semaphore_mem>>) src(%dma_wait3A_274 : memref<128x64xf32, #tpu.memory_space<vmem>>) dst(%dma_wait3A_280 : memref<10240x64xf32, #tpu.memory_space<vmem_shared>>)
      %rem3A_281 = arith.constant 2 : i32
      %rem3A_282 = arith.remsi %add3A_239, %rem3A_281 : i32
      %eq3A_283 = arith.cmpi eq, %rem3A_282, %arg0 : i32
      %convert_element_type3A_284 = arith.extui %eq3A_283 : i1 to i32
      %cond3A_285 = arith.constant 0 : i32
      %cond3A_286 = arith.cmpi ne, %convert_element_type3A_284, %cond3A_285 : i32
      scf.if %cond3A_286 {
        %dma_wait3A_302 = arith.constant 0 : i32
        %dma_wait3A_303 = arith.constant 0 : i32
        %dma_wait3A_304 = tpu.memref_slice %arg12[%dma_wait3A_302, %dma_wait3A_303] : memref<159x128xi32, #tpu.memory_space<vmem>> -> memref<1x128xi32, #tpu.memory_space<vmem>>
        %dma_wait3A_305 = tpu.memref_squeeze %dma_wait3A_304 : memref<1x128xi32, #tpu.memory_space<vmem>> -> memref<128xi32, #tpu.memory_space<vmem>>
        %dma_wait3A_306 = arith.constant 0 : i32
        %dma_wait3A_307 = arith.constant 0 : i32
        %dma_wait3A_308 = tpu.memref_slice %arg18[%dma_wait3A_306, %dma_wait3A_307] : memref<10240x8xf32, #tpu.memory_space<vmem_shared>> -> memref<10240x8xf32, #tpu.memory_space<vmem_shared>>
        tpu.wait_indirect_dma semaphore(%arg27 : memref<!tpu.dma_semaphore, #tpu.memory_space<semaphore_mem>>) src(%arg16 : memref<128x8xf32, #tpu.memory_space<vmem>>) dst(%dma_wait3A_308 : memref<10240x8xf32, #tpu.memory_space<vmem_shared>>)
      } else {
      }
      %add3A_287 = arith.constant 3 : i32
      %add3A_288 = arith.addi %add3A_239, %add3A_287 : i32
      %min3A_289 = arith.constant 158 : i32
      %min3A_290 = arith.minsi %add3A_288, %min3A_289 : i32
      %dma_start3A_291 = arith.constant 2 : i32
      %dma_start3A_292 = arith.constant 0 : i32
      %dma_start3A_293 = arith.constant 0 : i32
      %dma_start3A_294 = tpu.memref_slice %arg13[%dma_start3A_291, %dma_start3A_292, %dma_start3A_293] : memref<3x128x64xf32, #tpu.memory_space<vmem>> -> memref<1x128x64xf32, #tpu.memory_space<vmem>>
      %dma_start3A_295 = tpu.memref_squeeze %dma_start3A_294 : memref<1x128x64xf32, #tpu.memory_space<vmem>> -> memref<128x64xf32, #tpu.memory_space<vmem>>
      %dma_start3A_296 = arith.constant 0 : i32
      %dma_start3A_297 = tpu.memref_slice %arg11[%min3A_290, %dma_start3A_296] : memref<159x128xi32, #tpu.memory_space<vmem>> -> memref<1x128xi32, #tpu.memory_space<vmem>>
      %dma_start3A_298 = tpu.memref_squeeze %dma_start3A_297 : memref<1x128xi32, #tpu.memory_space<vmem>> -> memref<128xi32, #tpu.memory_space<vmem>>
      %dma_start3A_299 = arith.constant 0 : i32
      %dma_start3A_300 = arith.constant 0 : i32
      %dma_start3A_301 = tpu.memref_slice %arg2[%dma_start3A_299, %dma_start3A_300] : memref<20000x64xf32, #tpu.memory_space<hbm>> -> memref<20000x64xf32, #tpu.memory_space<hbm>>
      tpu.enqueue_indirect_dma source(%dma_start3A_301 : memref<20000x64xf32, #tpu.memory_space<hbm>>) target(%dma_start3A_295 : memref<128x64xf32, #tpu.memory_space<vmem>>) offsets(%dma_start3A_298 : memref<128xi32, #tpu.memory_space<vmem>>) semaphore(%arg21 : memref<!tpu.dma_semaphore, #tpu.memory_space<semaphore_mem>>)
    }
    %scan3A_66 = arith.constant 53 : i32
    %dma_wait3A = arith.constant 0 : i32
    %dma_wait3A_67 = arith.constant 0 : i32
    %dma_wait3A_68 = arith.constant 0 : i32
    %dma_wait3A_69 = arith.constant 0 : i32
    %dma_wait3A_70 = tpu.memref_slice %arg13[%dma_wait3A_67, %dma_wait3A_68, %dma_wait3A_69] : memref<3x128x64xf32, #tpu.memory_space<vmem>> -> memref<1x128x64xf32, #tpu.memory_space<vmem>>
    %dma_wait3A_71 = tpu.memref_squeeze %dma_wait3A_70 : memref<1x128x64xf32, #tpu.memory_space<vmem>> -> memref<128x64xf32, #tpu.memory_space<vmem>>
    %dma_wait3A_72 = arith.constant 0 : i32
    %dma_wait3A_73 = tpu.memref_slice %arg11[%dma_wait3A, %dma_wait3A_72] : memref<159x128xi32, #tpu.memory_space<vmem>> -> memref<1x128xi32, #tpu.memory_space<vmem>>
    %dma_wait3A_74 = tpu.memref_squeeze %dma_wait3A_73 : memref<1x128xi32, #tpu.memory_space<vmem>> -> memref<128xi32, #tpu.memory_space<vmem>>
    %dma_wait3A_75 = arith.constant 0 : i32
    %dma_wait3A_76 = arith.constant 0 : i32
    %dma_wait3A_77 = tpu.memref_slice %arg2[%dma_wait3A_75, %dma_wait3A_76] : memref<20000x64xf32, #tpu.memory_space<hbm>> -> memref<20000x64xf32, #tpu.memory_space<hbm>>
    tpu.wait_indirect_dma semaphore(%arg19 : memref<!tpu.dma_semaphore, #tpu.memory_space<semaphore_mem>>) src(%dma_wait3A_77 : memref<20000x64xf32, #tpu.memory_space<hbm>>) dst(%dma_wait3A_71 : memref<128x64xf32, #tpu.memory_space<vmem>>)
    %dma_wait3A_78 = arith.constant 0 : i32
    %dma_wait3A_79 = arith.constant 1 : i32
    %dma_wait3A_80 = arith.constant 0 : i32
    %dma_wait3A_81 = arith.constant 0 : i32
    %dma_wait3A_82 = tpu.memref_slice %arg13[%dma_wait3A_79, %dma_wait3A_80, %dma_wait3A_81] : memref<3x128x64xf32, #tpu.memory_space<vmem>> -> memref<1x128x64xf32, #tpu.memory_space<vmem>>
    %dma_wait3A_83 = tpu.memref_squeeze %dma_wait3A_82 : memref<1x128x64xf32, #tpu.memory_space<vmem>> -> memref<128x64xf32, #tpu.memory_space<vmem>>
    %dma_wait3A_84 = arith.constant 0 : i32
    %dma_wait3A_85 = tpu.memref_slice %arg11[%dma_wait3A_78, %dma_wait3A_84] : memref<159x128xi32, #tpu.memory_space<vmem>> -> memref<1x128xi32, #tpu.memory_space<vmem>>
    %dma_wait3A_86 = tpu.memref_squeeze %dma_wait3A_85 : memref<1x128xi32, #tpu.memory_space<vmem>> -> memref<128xi32, #tpu.memory_space<vmem>>
    %dma_wait3A_87 = arith.constant 0 : i32
    %dma_wait3A_88 = arith.constant 0 : i32
    %dma_wait3A_89 = tpu.memref_slice %arg2[%dma_wait3A_87, %dma_wait3A_88] : memref<20000x64xf32, #tpu.memory_space<hbm>> -> memref<20000x64xf32, #tpu.memory_space<hbm>>
    tpu.wait_indirect_dma semaphore(%arg20 : memref<!tpu.dma_semaphore, #tpu.memory_space<semaphore_mem>>) src(%dma_wait3A_89 : memref<20000x64xf32, #tpu.memory_space<hbm>>) dst(%dma_wait3A_83 : memref<128x64xf32, #tpu.memory_space<vmem>>)
    %dma_wait3A_90 = arith.constant 0 : i32
    %dma_wait3A_91 = arith.constant 2 : i32
    %dma_wait3A_92 = arith.constant 0 : i32
    %dma_wait3A_93 = arith.constant 0 : i32
    %dma_wait3A_94 = tpu.memref_slice %arg13[%dma_wait3A_91, %dma_wait3A_92, %dma_wait3A_93] : memref<3x128x64xf32, #tpu.memory_space<vmem>> -> memref<1x128x64xf32, #tpu.memory_space<vmem>>
    %dma_wait3A_95 = tpu.memref_squeeze %dma_wait3A_94 : memref<1x128x64xf32, #tpu.memory_space<vmem>> -> memref<128x64xf32, #tpu.memory_space<vmem>>
    %dma_wait3A_96 = arith.constant 0 : i32
    %dma_wait3A_97 = tpu.memref_slice %arg11[%dma_wait3A_90, %dma_wait3A_96] : memref<159x128xi32, #tpu.memory_space<vmem>> -> memref<1x128xi32, #tpu.memory_space<vmem>>
    %dma_wait3A_98 = tpu.memref_squeeze %dma_wait3A_97 : memref<1x128xi32, #tpu.memory_space<vmem>> -> memref<128xi32, #tpu.memory_space<vmem>>
    %dma_wait3A_99 = arith.constant 0 : i32
    %dma_wait3A_100 = arith.constant 0 : i32
    %dma_wait3A_101 = tpu.memref_slice %arg2[%dma_wait3A_99, %dma_wait3A_100] : memref<20000x64xf32, #tpu.memory_space<hbm>> -> memref<20000x64xf32, #tpu.memory_space<hbm>>
    tpu.wait_indirect_dma semaphore(%arg21 : memref<!tpu.dma_semaphore, #tpu.memory_space<semaphore_mem>>) src(%dma_wait3A_101 : memref<20000x64xf32, #tpu.memory_space<hbm>>) dst(%dma_wait3A_95 : memref<128x64xf32, #tpu.memory_space<vmem>>)
    %barrier3A_102 = arith.constant 0 : index
    tpu.barrier barrier_id(%barrier3A_102)
    %mul3A_103 = arith.constant 640 : i32
    %mul3A_104 = arith.muli %arg1, %mul3A_103 : i32
    "tpu.region"() ({
      %run_scoped3A = tpu.sem_alloc : memref<!tpu.dma_semaphore, #tpu.memory_space<semaphore_mem>>
      %dma_start3A_105 = arith.constant 0 : i32
      %dma_start3A_106 = tpu.memref_slice %arg9[%arg0, %mul3A_104, %dma_start3A_105] : memref<2x10240x64xf32, #tpu.memory_space<hbm>> -> memref<1x640x64xf32, #tpu.memory_space<hbm>>
      %dma_start3A_107 = tpu.memref_squeeze %dma_start3A_106 : memref<1x640x64xf32, #tpu.memory_space<hbm>> -> memref<640x64xf32, #tpu.memory_space<hbm>>
      %dma_start3A_108 = arith.constant 0 : i32
      %dma_start3A_109 = tpu.memref_slice %arg17[%mul3A_104, %dma_start3A_108] : memref<10240x64xf32, #tpu.memory_space<vmem_shared>> -> memref<640x64xf32, #tpu.memory_space<vmem_shared>>
      tpu.enqueue_dma source(%dma_start3A_109 : memref<640x64xf32, #tpu.memory_space<vmem_shared>>) target(%dma_start3A_107 : memref<640x64xf32, #tpu.memory_space<hbm>>) target_semaphore(%run_scoped3A : memref<!tpu.dma_semaphore, #tpu.memory_space<semaphore_mem>>)
      %dma_wait3A_110 = arith.constant 0 : i32
      %dma_wait3A_111 = tpu.memref_slice %arg9[%arg0, %mul3A_104, %dma_wait3A_110] : memref<2x10240x64xf32, #tpu.memory_space<hbm>> -> memref<1x640x64xf32, #tpu.memory_space<hbm>>
      %dma_wait3A_112 = tpu.memref_squeeze %dma_wait3A_111 : memref<1x640x64xf32, #tpu.memory_space<hbm>> -> memref<640x64xf32, #tpu.memory_space<hbm>>
      %dma_wait3A_113 = arith.constant 0 : i32
      %dma_wait3A_114 = tpu.memref_slice %arg17[%mul3A_104, %dma_wait3A_113] : memref<10240x64xf32, #tpu.memory_space<vmem_shared>> -> memref<640x64xf32, #tpu.memory_space<vmem_shared>>
      tpu.wait_dma2 semaphore(%run_scoped3A : memref<!tpu.dma_semaphore, #tpu.memory_space<semaphore_mem>>) src(%dma_wait3A_114 : memref<640x64xf32, #tpu.memory_space<vmem_shared>>) dst(%dma_wait3A_112 : memref<640x64xf32, #tpu.memory_space<hbm>>)
      tpu.yield
    }) : () -> ()
    "tpu.region"() ({
      %run_scoped3A = tpu.sem_alloc : memref<!tpu.dma_semaphore, #tpu.memory_space<semaphore_mem>>
      %dma_start3A_105 = arith.constant 0 : i32
      %dma_start3A_106 = tpu.memref_slice %arg10[%arg0, %mul3A_104, %dma_start3A_105] : memref<2x10240x8xf32, #tpu.memory_space<hbm>> -> memref<1x640x8xf32, #tpu.memory_space<hbm>>
      %dma_start3A_107 = tpu.memref_squeeze %dma_start3A_106 : memref<1x640x8xf32, #tpu.memory_space<hbm>> -> memref<640x8xf32, #tpu.memory_space<hbm>>
      %dma_start3A_108 = arith.constant 0 : i32
      %dma_start3A_109 = tpu.memref_slice %arg18[%mul3A_104, %dma_start3A_108] : memref<10240x8xf32, #tpu.memory_space<vmem_shared>> -> memref<640x8xf32, #tpu.memory_space<vmem_shared>>
      tpu.enqueue_dma source(%dma_start3A_109 : memref<640x8xf32, #tpu.memory_space<vmem_shared>>) target(%dma_start3A_107 : memref<640x8xf32, #tpu.memory_space<hbm>>) target_semaphore(%run_scoped3A : memref<!tpu.dma_semaphore, #tpu.memory_space<semaphore_mem>>)
      %dma_wait3A_110 = arith.constant 0 : i32
      %dma_wait3A_111 = tpu.memref_slice %arg10[%arg0, %mul3A_104, %dma_wait3A_110] : memref<2x10240x8xf32, #tpu.memory_space<hbm>> -> memref<1x640x8xf32, #tpu.memory_space<hbm>>
      %dma_wait3A_112 = tpu.memref_squeeze %dma_wait3A_111 : memref<1x640x8xf32, #tpu.memory_space<hbm>> -> memref<640x8xf32, #tpu.memory_space<hbm>>
      %dma_wait3A_113 = arith.constant 0 : i32
      %dma_wait3A_114 = tpu.memref_slice %arg18[%mul3A_104, %dma_wait3A_113] : memref<10240x8xf32, #tpu.memory_space<vmem_shared>> -> memref<640x8xf32, #tpu.memory_space<vmem_shared>>
      tpu.wait_dma2 semaphore(%run_scoped3A : memref<!tpu.dma_semaphore, #tpu.memory_space<semaphore_mem>>) src(%dma_wait3A_114 : memref<640x8xf32, #tpu.memory_space<vmem_shared>>) dst(%dma_wait3A_112 : memref<640x8xf32, #tpu.memory_space<hbm>>)
      tpu.yield
    }) : () -> ()
    return
  }
}

module attributes {stable_mosaic.version = 14 : i64} {
  func.func @body(%arg0: i32, %arg1: memref<400x128xf32, #tpu.memory_space<vmem>>, %arg2: memref<2x400x64xf32, #tpu.memory_space<vmem>>, %arg3: memref<2x400x8xf32, #tpu.memory_space<vmem>>, %arg4: memref<128x128xf32, #tpu.memory_space<vmem>>, %arg5: memref<128x128xf32, #tpu.memory_space<vmem>>, %arg6: memref<1x128xf32, #tpu.memory_space<vmem>>, %arg7: memref<400x128xf32, #tpu.memory_space<vmem>>) attributes {dimension_semantics = [#tpu.dimension_semantics<arbitrary>], iteration_bounds = array<i64: 25>, scalar_prefetch = 0 : i64, scratch_operands = 0 : i64, tpu.core_type = #tpu.core_type<tc>, window_params = [{transform_indices = @transform_0, window_bounds = array<i64: 400, 128>}, {transform_indices = @transform_1, window_bounds = array<i64: 2, 400, 64>}, {transform_indices = @transform_2, window_bounds = array<i64: 2, 400, 8>}, {pipeline_mode = #tpu.pipeline_mode<synchronous>, transform_indices = @transform_3, window_bounds = array<i64: 128, 128>}, {pipeline_mode = #tpu.pipeline_mode<synchronous>, transform_indices = @transform_4, window_bounds = array<i64: 128, 128>}, {pipeline_mode = #tpu.pipeline_mode<synchronous>, transform_indices = @transform_5, window_bounds = array<i64: 1, 128>}, {transform_indices = @transform_6, window_bounds = array<i64: 400, 128>}]} {
    %get3A = arith.constant 0 : index
    %get3A_0 = arith.constant 0 : index
    %get3A_1 = vector.load %arg1[%get3A, %get3A_0] : memref<400x128xf32, #tpu.memory_space<vmem>>, vector<400x128xf32>
    %get3A_2 = arith.constant 0 : index
    %get3A_3 = arith.constant 0 : index
    %get3A_4 = arith.constant 0 : index
    %get3A_5 = vector.load %arg2[%get3A_2, %get3A_3, %get3A_4] : memref<2x400x64xf32, #tpu.memory_space<vmem>>, vector<1x400x64xf32>
    %get3A_6 = vector.shape_cast %get3A_5 : vector<1x400x64xf32> to vector<400x64xf32>
    %get3A_7 = arith.constant 1 : index
    %get3A_8 = arith.constant 0 : index
    %get3A_9 = arith.constant 0 : index
    %get3A_10 = vector.load %arg2[%get3A_7, %get3A_8, %get3A_9] : memref<2x400x64xf32, #tpu.memory_space<vmem>>, vector<1x400x64xf32>
    %get3A_11 = vector.shape_cast %get3A_10 : vector<1x400x64xf32> to vector<400x64xf32>
    %concatenate3A = tpu.concatenate %get3A_6, %get3A_11 in 1 : vector<400x64xf32>, vector<400x64xf32> -> vector<400x128xf32>
    %get3A_12 = arith.constant 0 : index
    %get3A_13 = arith.constant 0 : index
    %get3A_14 = arith.constant 0 : index
    %get3A_15 = vector.load %arg3[%get3A_12, %get3A_13, %get3A_14] : memref<2x400x8xf32, #tpu.memory_space<vmem>>, vector<1x400x1xf32>
    %get3A_16 = vector.shape_cast %get3A_15 : vector<1x400x1xf32> to vector<400x1xf32>
    %get3A_17 = arith.constant 1 : index
    %get3A_18 = arith.constant 0 : index
    %get3A_19 = arith.constant 0 : index
    %get3A_20 = vector.load %arg3[%get3A_17, %get3A_18, %get3A_19] : memref<2x400x8xf32, #tpu.memory_space<vmem>>, vector<1x400x1xf32>
    %get3A_21 = vector.shape_cast %get3A_20 : vector<1x400x1xf32> to vector<400x1xf32>
    %add3A = arith.addf %get3A_16, %get3A_21 : vector<400x1xf32>
    %max3A = arith.constant 1.000000e+00 : f32
    %max3A_22 = vector.broadcast %max3A : f32 to vector<400x1xf32>
    %max3A_23 = arith.maximumf %add3A, %max3A_22 : vector<400x1xf32>
    %div3A = vector.broadcast %max3A_23 : vector<400x1xf32> to vector<400x128xf32>
    %div3A_24 = arith.divf %concatenate3A, %div3A : vector<400x128xf32>
    %get3A_25 = arith.constant 0 : index
    %get3A_26 = arith.constant 0 : index
    %get3A_27 = vector.load %arg4[%get3A_25, %get3A_26] : memref<128x128xf32, #tpu.memory_space<vmem>>, vector<128x128xf32>
    %dot_general3A = arith.constant dense<0.000000e+00> : vector<400x128xf32>
    %dot_general3A_28 = tpu.matmul %get3A_1, %get3A_27, %dot_general3A {dimension_numbers = #tpu.dot_dimension_numbers<[1], [0], [0], [1], [0, 0, 1, 1], [], []>, transpose_lhs_hint = false} : vector<400x128xf32>, vector<128x128xf32>, vector<400x128xf32> -> vector<400x128xf32>
    %get3A_29 = arith.constant 0 : index
    %get3A_30 = arith.constant 0 : index
    %get3A_31 = vector.load %arg5[%get3A_29, %get3A_30] : memref<128x128xf32, #tpu.memory_space<vmem>>, vector<128x128xf32>
    %dot_general3A_32 = arith.constant dense<0.000000e+00> : vector<400x128xf32>
    %dot_general3A_33 = tpu.matmul %div3A_24, %get3A_31, %dot_general3A_32 {dimension_numbers = #tpu.dot_dimension_numbers<[1], [0], [0], [1], [0, 0, 1, 1], [], []>, transpose_lhs_hint = false} : vector<400x128xf32>, vector<128x128xf32>, vector<400x128xf32> -> vector<400x128xf32>
    %add3A_34 = arith.addf %dot_general3A_28, %dot_general3A_33 : vector<400x128xf32>
    %get3A_35 = arith.constant 0 : index
    %get3A_36 = arith.constant 0 : index
    %get3A_37 = vector.load %arg6[%get3A_35, %get3A_36] : memref<1x128xf32, #tpu.memory_space<vmem>>, vector<1x128xf32>
    %add3A_38 = vector.broadcast %get3A_37 : vector<1x128xf32> to vector<400x128xf32>
    %add3A_39 = arith.addf %add3A_34, %add3A_38 : vector<400x128xf32>
    %gt3A = arith.constant 0.000000e+00 : f32
    %gt3A_40 = vector.broadcast %gt3A : f32 to vector<400x128xf32>
    %gt3A_41 = arith.cmpf ogt, %add3A_39, %gt3A_40 : vector<400x128xf32>
    %mul3A = arith.constant 0.00999999977 : f32
    %mul3A_42 = vector.broadcast %mul3A : f32 to vector<400x128xf32>
    %mul3A_43 = arith.mulf %add3A_39, %mul3A_42 : vector<400x128xf32>
    %select_n3A = arith.select %gt3A_41, %add3A_39, %mul3A_43 : vector<400x128xi1>, vector<400x128xf32>
    %add3A_44 = arith.addf %get3A_1, %select_n3A : vector<400x128xf32>
    %swap3A = arith.constant 0 : index
    %swap3A_45 = arith.constant 0 : index
    %swap3A_46 = vector.load %arg7[%swap3A, %swap3A_45] : memref<400x128xf32, #tpu.memory_space<vmem>>, vector<400x128xf32>
    tpu.vector_store %arg7[%swap3A, %swap3A_45], %add3A_44 {strides = array<i32>} : memref<400x128xf32, #tpu.memory_space<vmem>>, vector<400x128xf32>,
    return
  }
  func.func @transform_0(%arg0: i32) -> (i32, i32) {
    %c0_i32 = arith.constant 0 : i32
    %c0_i32_0 = arith.constant 0 : i32
    return %arg0, %c0_i32 : i32, i32
  }
  func.func @transform_1(%arg0: i32) -> (i32, i32, i32) {
    %c0_i32 = arith.constant 0 : i32
    %c0_i32_0 = arith.constant 0 : i32
    %c0_i32_1 = arith.constant 0 : i32
    return %c0_i32, %arg0, %c0_i32_0 : i32, i32, i32
  }
  func.func @transform_2(%arg0: i32) -> (i32, i32, i32) {
    %c0_i32 = arith.constant 0 : i32
    %c0_i32_0 = arith.constant 0 : i32
    %c0_i32_1 = arith.constant 0 : i32
    return %c0_i32, %arg0, %c0_i32_0 : i32, i32, i32
  }
  func.func @transform_3(%arg0: i32) -> (i32, i32) {
    %c0_i32 = arith.constant 0 : i32
    %c0_i32_0 = arith.constant 0 : i32
    %c0_i32_1 = arith.constant 0 : i32
    return %c0_i32, %c0_i32_0 : i32, i32
  }
  func.func @transform_4(%arg0: i32) -> (i32, i32) {
    %c0_i32 = arith.constant 0 : i32
    %c0_i32_0 = arith.constant 0 : i32
    %c0_i32_1 = arith.constant 0 : i32
    return %c0_i32, %c0_i32_0 : i32, i32
  }
  func.func @transform_5(%arg0: i32) -> (i32, i32) {
    %c0_i32 = arith.constant 0 : i32
    %c0_i32_0 = arith.constant 0 : i32
    %c0_i32_1 = arith.constant 0 : i32
    return %c0_i32, %c0_i32_0 : i32, i32
  }
  func.func @transform_6(%arg0: i32) -> (i32, i32) {
    %c0_i32 = arith.constant 0 : i32
    %c0_i32_0 = arith.constant 0 : i32
    return %arg0, %c0_i32 : i32, i32
  }
}

</mosaic_0001>

<sc_bundles>
// kernel: _impl.4.cloned.1.call-start
scs
__scs_entry_jumppad:
0x0: {  	(pc) =	sbr.rel $0x88, $3  }
0x1: {  	(tag) =	ssettag $0x0;
	lr =	simm.s32 $0x1  }
0x2: {  	[smem:$0x3F9C] =	sst lr;
	_ =	strace $0xD0000000  }
0x3: {  	_ = 	snop  }
0x4: {  	_ = 	snop  }
0x5: {  	_ = 	snop  }
0x6: {  	_ = 	snop  }
0x7: {  	_ = 	snop  }
__scs_overlays_trampoline_lowered:
0x8: {  	[smem:$0x3FAB] =	sst s0  }
0x9: {  	[smem:$0x3FAC] =	sst s1  }
0xa: {  	[smem:$0x3FAD] =	sst s2  }
0xb: {  	[smem:$0x3FAE] =	sst s3  }
0xc: {  	[smem:$0x3FAF] =	sst s4  }
0xd: {  	[smem:$0x3FB0] =	sst s5  }
0xe: {  	[smem:$0x3FB1] =	sst s6  }
0xf: {  	[smem:$0x3FB2] =	sst s7  }
0x10: {  	[smem:$0x3FB3] =	sst s8  }
0x11: {  	[smem:$0x3FB4] =	sst s9;
	s0 =	simm.s32 @!p0 $0x0  }
0x12: {  	s1 =	sld [smem:$0x3F9A];
	s0 =	simm.s32 @p0 $0x1  }
0x13: {  	[smem:$0x3FB5] =	sst s0;
	s0 =	simm.s32 @!p1 $0x0  }
0x14: {  	s2 =	sld [smem:$0x3F99];
	s0 =	simm.s32 @p1 $0x1  }
0x15: {  	[smem:$0x3FB6] =	sst s0;
	s0 =	simm.s32 @!p2 $0x0  }
0x16: {  	s3 =	sld [smem:$0x3FDB];
	s0 =	simm.s32 @p2 $0x1  }
0x17: {  	s4 =	simm.s32 $0x1BF5;
	[smem:$0x3FB8] =	sst s0  }
0x18: {  	s0 =	sld [smem:$0x3F9B];
	_ =	swait.ge [sflag:s4], $0x0  }
0x19: {  	s7 =	sld [smem:$0x3F9C]  }
0x1a: {  	s8 =	sadd.s32 $0xFFFFE003, lr  }
0x1b: {  	s9 =	sadd.s32 $0xFFFFFEF7, lr;
	s5 =	simm.s32 $0xFFFFFFFF;
	p2 =	slt.u32 s8, $0xFFFFF086  }
0x1c: {  	p1 =	slt.u32 s9, $0xF7A;
	s5 =	simm.s32 @!p2 $0x0  }
0x1d: {  	s5 =	simm.s32 @p1 $0x1;
	p0 =	seq.s32 s7, s2  }
0x1e: {  	s7 =	smul.u32 @!p0 $0xF7A, s2;
	p2 =	seq.s32 @!p0 s5, $0x0  }
0x1f: {  	s9 =	smul.u32 $0xF7A, s1;
	s8 =	simm.s32 @!p0 $0x1BF5;
	p2 =	por !p2, p0  }
0x20: {  	[sflag:s8] =	ssyncset.s32 @!p0 $0xFFFFF086;
	s6 =	sadd.s32 @!p0 s3, s7;
	s7 =	simm.s32 @!p0 $0x108  }
0x21: {  	s3 =	sadd.s32 s3, s9;
	s6 =	sadd.s32 @!p0 $0x88, s6;
	s7 =	simm.s32 @p2 $0x1082  }
0x22: {  	[simem:s7], [sflag:s8] =	dma.local @!p0 [hbm:s6], $0xF7A  }
0x23: {  	s9 =	sor.u32 $0xD0000000, s2;
	s6 =	simm.s32 $0x108;
	_ =	swait.ge @!p0 [sflag:s8], $0x0  }
0x24: {  	s3 =	sadd.s32 $0x88, s3;
	s6 =	simm.s32 @!p1 $0x1082;
	[sflag:s4] =	ssyncset.s32 $0xFFFFF086  }
0x25: {  	[simem:s6], [sflag:s4] =	dma.local [hbm:s3], $0xF7A  }
0x26: {  	[smem:$0x3F9C] =	sst s1;
	(tag) =	ssettag s2;
	_ =	strace s9  }
0x27: {  	s1 =	sld [smem:$0x3FAC]  }
0x28: {  	s2 =	sld [smem:$0x3FAD]  }
0x29: {  	s4 =	sld [smem:$0x3FAF]  }
0x2a: {  	p0 =	seq.s32 s5, $0x0;
	s5 =	sld [smem:$0x3FB0]  }
0x2b: {  	s6 =	sld [smem:$0x3FB1]  }
0x2c: {  	s7 =	sld [smem:$0x3FB2]  }
0x2d: {  	s3 =	simm.s32 $0x108;
	s8 =	sld [smem:$0x3FB3]  }
0x2e: {  	s3 =	simm.s32 @!p0 $0x1082;
	s9 =	sld [smem:$0x3FB4]  }
0x2f: {  	lr =	sadd.s32 s0, s3;
	s0 =	sld [smem:$0x3FAB]  }
0x30: {  	s3 =	sld [smem:$0x3FAE]  }
0x31: {  	[smem:$0x3FB7] =	sst s10  }
0x32: {  	s10 =	sld [smem:$0x3FB5];
	_ =	sdelay $0x3  }
0x33: {  	p0 =	seq.s32 s10, $0x1;
	s10 =	sld [smem:$0x3FB7];
	_ =	sdelay $0x3  }
0x34: {  	[smem:$0x3FB7] =	sst s10  }
0x35: {  	s10 =	sld [smem:$0x3FB6];
	_ =	sdelay $0x3  }
0x36: {  	p1 =	seq.s32 s10, $0x1;
	s10 =	sld [smem:$0x3FB7];
	_ =	sdelay $0x3  }
0x37: {  	[smem:$0x3FB7] =	sst s10  }
0x38: {  	s10 =	sld [smem:$0x3FB8]  }
0x39: {  	_ = 	snop;
	(pc) =	sbr.ind lr, $3  }
0x3a: {  	_ = 	snop  }
0x3b: {  	_ = 	snop  }
0x3c: {  	p2 =	seq.s32 s10, $0x1;
	s10 =	sld [smem:$0x3FB7]  }
0x3d: {  	_ =	shalt  }
0x3e: {  	_ =	shalt  }
0x3f: {  	_ =	shalt  }
0x40: {  	_ =	shalt  }
0x41: {  	_ =	shalt  }
0x42: {  	_ =	shalt  }
0x43: {  	_ =	shalt  }
0x44: {  	_ =	shalt  }
0x45: {  	_ =	shalt  }
0x46: {  	_ =	shalt  }
0x47: {  	_ =	shalt  }
0x48: {  	_ =	shalt  }
0x49: {  	_ =	shalt  }
0x4a: {  	_ =	shalt  }
0x4b: {  	_ =	shalt  }
0x4c: {  	_ =	shalt  }
0x4d: {  	_ =	shalt  }
0x4e: {  	_ =	shalt  }
0x4f: {  	_ =	shalt  }
0x50: {  	_ =	shalt  }
0x51: {  	_ =	shalt  }
0x52: {  	_ =	shalt  }
0x53: {  	_ =	shalt  }
0x54: {  	_ =	shalt  }
0x55: {  	_ =	shalt  }
0x56: {  	_ =	shalt  }
0x57: {  	_ =	shalt  }
0x58: {  	_ =	shalt  }
0x59: {  	_ =	shalt  }
0x5a: {  	_ =	shalt  }
0x5b: {  	_ =	shalt  }
0x5c: {  	_ =	shalt  }
0x5d: {  	_ =	shalt  }
0x5e: {  	_ =	shalt  }
0x5f: {  	_ =	shalt  }
0x60: {  	_ =	shalt  }
0x61: {  	_ =	shalt  }
0x62: {  	_ =	shalt  }
0x63: {  	_ =	shalt  }
0x64: {  	_ =	shalt  }
0x65: {  	_ =	shalt  }
0x66: {  	_ =	shalt  }
0x67: {  	_ =	shalt  }
0x68: {  	_ =	shalt  }
0x69: {  	_ =	shalt  }
0x6a: {  	_ =	shalt  }
0x6b: {  	_ =	shalt  }
0x6c: {  	_ =	shalt  }
0x6d: {  	_ =	shalt  }
0x6e: {  	_ =	shalt  }
0x6f: {  	_ =	shalt  }
0x70: {  	_ =	shalt  }
0x71: {  	_ =	shalt  }
0x72: {  	_ =	shalt  }
0x73: {  	_ =	shalt  }
0x74: {  	_ =	shalt  }
0x75: {  	_ =	shalt  }
0x76: {  	_ =	shalt  }
0x77: {  	_ =	shalt  }
0x78: {  	_ =	shalt  }
0x79: {  	_ =	shalt  }
0x7a: {  	_ =	shalt  }
0x7b: {  	_ =	shalt  }
0x7c: {  	_ =	shalt  }
0x7d: {  	_ =	shalt  }
0x7e: {  	_ =	shalt  }
0x7f: {  	_ =	shalt  }
0x80: {  	_ =	shalt  }
0x81: {  	_ =	shalt  }
0x82: {  	_ =	shalt  }
0x83: {  	_ =	shalt  }
0x84: {  	_ =	shalt  }
0x85: {  	_ =	shalt  }
0x86: {  	_ =	shalt  }
0x87: {  	_ =	shalt  }
.Lfunc_end0:
.L_simem_size_0:
called_computation_lowered:
.L_overlay_start_0:
0x88: {  	s2 =	sld [smem:$0x3FD9]  }
0x89: {  	s3 =	sld [smem:$0x3FFE];
	_ =	sdelay $0x1  }
0x8a: {  	s1 =	srdreg.scid  }
0x8b: {  	s0 =	sand.u32 $0x1, s1  }
0x8c: {  	s17 =	sshll.u32 s0, $0xA;
	s2 =	sadd.s32 s3, s2  }
0x8d: {  	s2 =	sadd.s32 s2, s17  }
0x8e: {  	[smem:$0x3FC3] =	sst s2  }
0x8f: {  	_ = 	snop  }
0x90: {  	s2 =	sld [smem:$0x3FC9]  }
0x91: {  	s18 =	sld [smem:$0x3FD0];
	(tm) =	ssettm $0x1  }
0x92: {  	s4 =	sld [smem:$0x3FFB];
	_ =	sdelay $0x3  }
0x93: {  	_ =	strace s4  }
0x94: {  	s4 =	sld [smem:$0x3FFC];
	_ =	sdelay $0x3  }
0x95: {  	_ =	strace s4  }
0x96: {  	s4 =	sld [smem:$0x3FFD];
	_ =	sdelay $0x3  }
0x97: {  	_ =	strace s4  }
0x98: {  	_ =	strace $0x8FFFFFFF  }
0x99: {  	s19 =	sld [smem:$0x3FDB];
	_ =	sdelay $0x1  }
0x9a: {  	s5 =	simm.s32 $_scs_section_size  }
0x9b: {  	s6 =	simm.s32 $_size__tile_overlayer_lowered;
	s7 =	simm.s32 $_tile_overlayer_lowered  }
0x9c: {  	s22 =	simm.s32 $0x1BFF;
	s21 =	sshll.u32 s7, $0x1;
	s4 =	sadd.s32 s5, s19  }
0x9d: {  	s8 =	simm.s32 $0x0;
	s20 =	sshll.u32 s6, $0x1;
	s6 =	sadd.s32 s21, s4  }
0x9e: {  	[timem:s8], [sflag:s22] =	dma.local [hbm:s6], s20  }
0x9f: {  	_ =	swait.ge [sflag:s22], s20  }
0xa0: {  	s5 =	ssub.s32 $0x0, s20;
	[sflag:s22] =	ssyncset.done $0x0  }
0xa1: {  	[sflag:s22] =	ssyncadd.s32 s5;
	_ =	sdelay $0x1  }
0xa2: {  	s23 =	simm.s32 $0x1B8B  }
0xa3: {  	_ =	swait.ge [sflag:s23], $0x1  }
0xa4: {  	[sflag:s23] =	ssyncset.done $0x0  }
0xa5: {  	s25 =	simm.s32 $0x1B8E;
	s24 =	sld [smem:$0x3FFE];
	[sflag:s23] =	ssyncadd.s32 $0xFFFFFFFF  }
0xa6: {  	s26 =	simm.s32 $execute0_lowered;
	[smem:$0x3FD2] =	sst s25  }
0xa7: {  	s6 =	sshll.u32 s26, $0x1;
	_ =	strace $0x80000046;
	[dreg:$0x1] =	wrdreg $0xFFFFFFFF  }
0xa8: {  	s28 =	simm.s32 $_size_execute0_lowered;
	s4 =	sadd.s32 s4, s6;
	[dreg:$0x0] =	wrdreg $0x0  }
0xa9: {  	s6 =	sshll.u32 s28, $0x1;
	[dreg:$0x2] =	wrdreg s4  }
0xaa: {  	[dreg:$0x3] =	wrdreg s6  }
0xab: {  	[dreg:$0x4] =	wrdreg $0xC0  }
0xac: {  	_ =	task [dreg:s8], $0x5FFFF  }
0xad: {  	[dreg:$0x1] =	wrdreg $0xFFFFFFFF  }
0xae: {  	[dreg:$0x0] =	wrdreg $0x60  }
0xaf: {  	[dreg:$0x2] =	wrdreg s2  }
0xb0: {  	[dreg:$0x3] =	wrdreg s24  }
0xb1: {  	[dreg:$0x4] =	wrdreg s18  }
0xb2: {  	[dreg:$0x5] =	wrdreg $0x127000  }
0xb3: {  	[dreg:$0x6] =	wrdreg $0x1C7000  }
0xb4: {  	[dreg:$0x7] =	wrdreg $0x9  }
0xb5: {  	_ =	task.clear_ibuf [dreg:s8], $0x8FFFF;
	_ =	strace $0x90000046  }
0xb6: {  	s29 =	simm.s32 $0x9;
	_ =	strace $0x80000048  }
0xb7: {  	_ =	swait.ge [sflag:s29], $0x1  }
0xb8: {  	[sflag:s29] =	ssyncadd.s32 $0xFFFFFFFF  }
0xb9: {  	_ =	strace $0x90000048  }
0xba: {  	_ =	sfence  }
0xbb: {  	s30 =	sld [smem:$0x0];
	_ =	sdelay $0x2  }
0xbc: {  	s31 =	sshll.u32 s1, $0xD;
	s1 =	sshrl.u32 s1, $0x2  }
0xbd: {  	s3 =	sand.u32 $0x4000, s31;
	s1 =	sadd.s32 s1, s30  }
0xbe: {  	s0 =	sor.u32 s3, s0;
	s1 =	sshll.u32 s1, $0x11  }
0xbf: {  	s0 =	sor.u32 s1, s0  }
0xc0: {  	s0 =	sadd.s32 $0x8F2B, s0  }
0xc1: {  	[sflag:s0] =	ssyncadd.remote.s32 $0x1  }
0xc2: {  	_ =	sfence.sel $0xFFFF  }
0xc3: {  	[dreg:$0x0] =	wrdreg $0xFFFFFFFF;
	(pc) =	sbr.abs _section_cstart, $3  }
0xc4: {  	[dreg:$0x1] =	wrdreg $0xFFFFFFFF  }
0xc5: {  	_ =	task.clear_ibuf [dreg:s8], $0x2FFFF;
	_ =	strace $0x9FFFFFFF  }
0xc6: {  	(tm) =	ssettm $0x7FFFFFFF  }
0xc7: {  	_ =	shalt  }
tec
execute0_lowered:
.L_overlay_start_1:
0x0: {  	(tag) =	ssettag $0x1  }
0x1: {  	s1 =	rddreg [dreg:$0x0]  }
0x2: {  	s0 =	rddreg [dreg:$0x1]  }
0x3: {  	s2 =	rddreg [dreg:$0x2]  }
0x4: {  	s3 =	rddreg [dreg:$0x3]  }
0x5: {  	s4 =	rddreg [dreg:$0x4];
	s16 =	stileid.u32  }
0x6: {  	s5 =	simm.s32 $0x0;
	s6 =	srdreg.scid;
	s28 =	simm.s32 $0x9F00  }
0x7: {  	s29 =	simm.s32 $0xBF00;
	s31 =	simm.s32 $0xDF00;
	s7 =	smul.u32 $0x9F0, s16  }
0x8: {  	s30 =	simm.s32 $0xFF00;
	[smem:$0x7FF] =	sst s5;
	s8 =	smul.u32 $0xA000, s16  }
0x9: {  	s6 =	sand.u32 $0x1, s6;
	s10 =	sadd.s32 $0x1200, s0;
	s12 =	smul.u32 $0x1400, s16  }
0xa: {  	s13 =	sadd.s32 $0x15600, s0;
	s14 =	sadd.s32 $0x15400, s0;
	s16 =	smul.u32 $0x280, s16  }
0xb: {  	_ =	strace $0x80000047;
	s9 =	smul.u32 $0xA0000, s6;
	[dreg:$0x6] =	wrdreg s13  }
0xc: {  	s25 =	sadd.s32 $0x15200, s0;
	s24 =	smul.u32 $0x14000, s6;
	[dreg:$0x7] =	wrdreg s14  }
0xd: {  	[dreg:$0x8] =	wrdreg s25;
	s26 =	ssub.s32 $0x2, s6;
	p0 =	seq.s32 s6, $0x1  }
0xe: {  	p1 =	seq.s32 s6, $0x0;
	s11 =	sadd.s32 s7, s0;
	s15 =	sshrl.u32 s26, $0x1  }
0xf: {  	s18 =	sadd.s32 $0x100, s16;
	s20 =	sadd.s32 $0x180, s16;
	s23 =	sadd.s32 $0x200, s16  }
0x10: {  	s10 =	smov.u32 @p0 s2;
	p0 =	sne.s32 s6, $0x0;
	s9 =	sadd.s32 s8, s9  }
0x11: {  	s13 =	sadd.s32 s12, s24;
	s11 =	sadd.s32 $0xB200, s11;
	s12 =	sadd.s32 s12, s4  }
0x12: {  	s19 =	sshll.u32 s18, $0x6;
	s21 =	sshll.u32 s20, $0x6;
	s22 =	sshll.u32 s20, $0x3  }
0x13: {  	s24 =	sshll.u32 s23, $0x6;
	s9 =	sshrl.u32 s9, $0x3;
	s13 =	sshrl.u32 s13, $0x3  }
0x14: {  	[dreg:$0x9] =	wrdreg s11;
	s11 =	sadd.s32 s8, s3;
	s2 =	sadd.s32 s24, s3  }
0x15: {  	s24 =	sadd.s32 s10, s7;
	s7 =	simm.s32 $0x2;
	s10 =	simm.s32 $0x0  }
0x16: {  	s9 =	sadd.s32 s9, s0;
	s0 =	sadd.s32 s13, s0;
	s13 =	ssub.s32 s26, s15  }
0x17: {  	s15 =	sadd.s32 $0x80, s16;
	[dreg:$0x10] =	wrdreg s2;
	s2 =	simm.s32 $0x1  }
0x18: {  	s17 =	sshll.u32 s15, $0x6;
	s8 =	sshll.u32 s15, $0x3;
	s26 =	sadd.s32 $0x15A00, s9  }
0x19: {  	s9 =	simm.s32 $0x4F00;
	s14 =	sadd.s32 s17, s3;
	[dreg:$0x12] =	wrdreg s26  }
0x1a: {  	s8 =	sadd.s32 s8, s4;
	s26 =	simm.s32 $0x80;
	[dreg:$0xa] =	wrdreg s14  }
0x1b: {  	[dreg:$0xb] =	wrdreg s8;
	s8 =	sshll.u32 s18, $0x3;
	s14 =	sadd.s32 s19, s3  }
0x1c: {  	[dreg:$0xc] =	wrdreg s14;
	s8 =	sadd.s32 s8, s4;
	s14 =	sshll.u32 s23, $0x3  }
0x1d: {  	s23 =	smax.u32 s13, $0x1;
	[dreg:$0xd] =	wrdreg s8;
	s8 =	sadd.s32 s21, s3  }
0x1e: {  	s25 =	sadd.s32 s14, s4;
	[dreg:$0xe] =	wrdreg s8;
	s8 =	sadd.s32 s22, s4  }
0x1f: {  	[dreg:$0x11] =	wrdreg s25;
	s22 =	sadd.s32 $0x3DA00, s0;
	s25 =	simm.s32 $0xA  }
0x20: {  	s0 =	simm.s32 $0x11F00;
	[dreg:$0xf] =	wrdreg s8;
	s8 =	simm.s32 $0x3  }
.LBB2_1:
0x21: {  	[tilespmem:s5], [sflag:$0xA] =	stream.linear.gather [hbm4b:s24+s5], $0x4F80, $0x38;
	[tilespmem:$0x1DB00] =	vst v63  }
0x22: {  	_ =	swait.ge [sflag:s25], $0x4F80  }
0x23: {  	[sflag:s25] =	ssyncset.done $0x0  }
0x24: {  	[sflag:s25] =	ssyncadd.s32 $0xFFFFB080  }
0x25: {  	[tilespmem:s28], [sflag:$0x1] =	stream.indirect.gather [hbm4b:s1+s26], $0x40, s5, s26, $0xb8;
	[tilespmem:$0x1DB00] =	vst v63  }
0x26: {  	_ = 	snop  }
0x27: {  	[tilespmem:s29], [sflag:$0x2] =	stream.indirect.gather [hbm4b:s1+s26], $0x40, s26, s26, $0xb8;
	[tilespmem:$0x1DB00] =	vst v63  }
0x28: {  	s13 =	simm.s32 $0x100  }
0x29: {  	[tilespmem:s31], [sflag:$0x3] =	stream.indirect.gather [hbm4b:s1+s26], $0x40, s13, s26, $0xb8;
	[tilespmem:$0x1DB00] =	vst v63  }
0x2a: {  	s14 =	simm.s32 $0x4F80;
	s21 =	rddreg [dreg:$0x9]  }
0x2b: {  	[tilespmem:s14], [sflag:$0xA] =	stream.linear.gather [hbm4b:s21+s5], $0x4F80, $0x38;
	[tilespmem:$0x1DB00] =	vst v63  }
0x2c: {  	_ =	swait.ge [sflag:s25], $0x4F80  }
0x2d: {  	[sflag:s25] =	ssyncset.done $0x0  }
0x2e: {  	s14 =	rddreg [dreg:$0x6];
	[sflag:s25] =	ssyncadd.s32 $0xFFFFB080  }
0x2f: {  	[tilespmem:s30], [sflag:$0xA] =	stream.linear.gather [hbm4b:s14+s5], $0x2000, $0x38;
	[tilespmem:$0x1DB00] =	vst v63  }
0x30: {  	_ =	swait.ge [sflag:s25], $0x2000  }
0x31: {  	[sflag:s25] =	ssyncset.done $0x0  }
0x32: {  	s15 =	rddreg [dreg:$0x7];
	[sflag:s25] =	ssyncadd.s32 $0xFFFFE000  }
0x33: {  	[tilespmem:s0], [sflag:$0xA] =	stream.linear.gather [hbm4b:s15+s5], $0x400, $0x38;
	[tilespmem:$0x1DB00] =	vst v63  }
0x34: {  	_ =	swait.ge [sflag:s25], $0x400  }
0x35: {  	[sflag:s25] =	ssyncset.done $0x0  }
0x36: {  	s17 =	simm.s32 $0x12300;
	s16 =	rddreg [dreg:$0x8];
	[sflag:s25] =	ssyncadd.s32 $0xFFFFFC00  }
0x37: {  	[tilespmem:s17], [sflag:$0xA] =	stream.linear.gather [hbm4b:s16+s5], $0x400, $0x38;
	[tilespmem:$0x1DB00] =	vst v63  }
0x38: {  	_ =	swait.ge [sflag:s25], $0x400  }
0x39: {  	[sflag:s25] =	ssyncset.done $0x0  }
0x3a: {  	[sflag:s25] =	ssyncadd.s32 $0xFFFFFC00  }
0x3b: {  	[spmem:s11] =	stream.linear.scatter [tilespmem:s30], [sflag:$0xA], $0x2000, $0x38;
	[tilespmem:$0x1DB00] =	vst v63  }
0x3c: {  	_ =	swait.ge [sflag:s25], $0x2000  }
0x3d: {  	[sflag:s25] =	ssyncset.done $0x0  }
0x3e: {  	[sflag:s25] =	ssyncadd.s32 $0xFFFFE000  }
0x3f: {  	[spmem:s12] =	stream.linear.scatter [tilespmem:s0], [sflag:$0xA], $0x400, $0x38;
	[tilespmem:$0x1DB00] =	vst v63  }
0x40: {  	_ =	swait.ge [sflag:s25], $0x400  }
0x41: {  	[sflag:s25] =	ssyncset.done $0x0  }
0x42: {  	s18 =	rddreg [dreg:$0xa];
	[sflag:s25] =	ssyncadd.s32 $0xFFFFFC00  }
0x43: {  	[spmem:s18] =	stream.linear.scatter [tilespmem:s30], [sflag:$0xA], $0x2000, $0x38;
	[tilespmem:$0x1DB00] =	vst v63  }
0x44: {  	_ =	swait.ge [sflag:s25], $0x2000  }
0x45: {  	[sflag:s25] =	ssyncset.done $0x0  }
0x46: {  	s19 =	rddreg [dreg:$0xb];
	[sflag:s25] =	ssyncadd.s32 $0xFFFFE000  }
0x47: {  	[spmem:s19] =	stream.linear.scatter [tilespmem:s0], [sflag:$0xA], $0x400, $0x38;
	[tilespmem:$0x1DB00] =	vst v63  }
0x48: {  	_ =	swait.ge [sflag:s25], $0x400  }
0x49: {  	[sflag:s25] =	ssyncset.done $0x0  }
0x4a: {  	s20 =	rddreg [dreg:$0xc];
	[sflag:s25] =	ssyncadd.s32 $0xFFFFFC00  }
0x4b: {  	[spmem:s20] =	stream.linear.scatter [tilespmem:s30], [sflag:$0xA], $0x2000, $0x38;
	[tilespmem:$0x1DB00] =	vst v63  }
0x4c: {  	_ =	swait.ge [sflag:s25], $0x2000  }
0x4d: {  	[sflag:s25] =	ssyncset.done $0x0  }
0x4e: {  	s21 =	rddreg [dreg:$0xd];
	[sflag:s25] =	ssyncadd.s32 $0xFFFFE000  }
0x4f: {  	[spmem:s21] =	stream.linear.scatter [tilespmem:s0], [sflag:$0xA], $0x400, $0x38;
	[tilespmem:$0x1DB00] =	vst v63  }
0x50: {  	_ =	swait.ge [sflag:s25], $0x400  }
0x51: {  	[sflag:s25] =	ssyncset.done $0x0  }
0x52: {  	s14 =	rddreg [dreg:$0xe];
	[sflag:s25] =	ssyncadd.s32 $0xFFFFFC00  }
0x53: {  	[spmem:s14] =	stream.linear.scatter [tilespmem:s30], [sflag:$0xA], $0x2000, $0x38;
	[tilespmem:$0x1DB00] =	vst v63  }
0x54: {  	_ =	swait.ge [sflag:s25], $0x2000  }
0x55: {  	[sflag:s25] =	ssyncset.done $0x0  }
0x56: {  	s15 =	rddreg [dreg:$0xf];
	[sflag:s25] =	ssyncadd.s32 $0xFFFFE000  }
0x57: {  	[spmem:s15] =	stream.linear.scatter [tilespmem:s0], [sflag:$0xA], $0x400, $0x38;
	[tilespmem:$0x1DB00] =	vst v63  }
0x58: {  	_ =	swait.ge [sflag:s25], $0x400  }
0x59: {  	[sflag:s25] =	ssyncset.done $0x0  }
0x5a: {  	s16 =	rddreg [dreg:$0x10];
	[sflag:s25] =	ssyncadd.s32 $0xFFFFFC00  }
0x5b: {  	[spmem:s16] =	stream.linear.scatter [tilespmem:s30], [sflag:$0xA], $0x2000, $0x38;
	[tilespmem:$0x1DB00] =	vst v63  }
0x5c: {  	_ =	swait.ge [sflag:s25], $0x2000  }
0x5d: {  	[sflag:s25] =	ssyncset.done $0x0  }
0x5e: {  	s17 =	rddreg [dreg:$0x11];
	[sflag:s25] =	ssyncadd.s32 $0xFFFFE000  }
0x5f: {  	[spmem:s17] =	stream.linear.scatter [tilespmem:s0], [sflag:$0xA], $0x400, $0x38;
	[tilespmem:$0x1DB00] =	vst v63  }
0x60: {  	_ =	swait.ge [sflag:s25], $0x400  }
0x61: {  	[sflag:s25] =	ssyncset.done $0x0  }
0x62: {  	[sflag:s25] =	ssyncadd.s32 $0xFFFFFC00  }
0x63: {  	[bflag:$0x0] =	sbarrier.arrive $0xFFFF  }
0x64: {  	s18 =	sand.u32 $0x1, s5;
	_ =	swait.ge [sflag:s2], $0x2000  }
0x65: {  	p2 =	sne.s32 s18, s6;
	[sflag:s2] =	ssyncset.done $0x0  }
0x66: {  	s13 =	simm.s32 $0x4F80;
	s14 =	simm.s32 @p2 $0x4;
	[sflag:s2] =	ssyncadd.s32 $0xFFFFE000  }
0x67: {  	[spmem:s3] =	stream.indirect.scatter.add.f32 [tilespmem:s28], [sflag:$0x4], $0x40, s13, s26, $0xb8;
	[tilespmem:$0x1DB00] =	vst v63  }
0x68: {  	_ =	swait.ge @p2 [sflag:s14], $0x2000  }
0x69: {  	s15 =	simm.s32 @!p2 $0x80;
	[sflag:s14] =	ssyncset.done @p2 $0x0  }
0x6a: {  	s16 =	simm.s32 @!p2 $0x12300;
	[sflag:s14] =	ssyncadd.s32 @p2 $0xFFFFE000;
	s14 =	simm.s32 @!p2 $0x4  }
0x6b: {  	[spmem:s4] =	stream.indirect.scatter.add.f32 @!p2 [tilespmem:s16], [sflag:$0x7], $0x8, s13, s15, $0xb8;
	[tilespmem:$0x1DB00] =	vst v63  }
0x6c: {  	_ =	swait.ge @!p2 [sflag:s14], $0x2000  }
0x6d: {  	[sflag:s14] =	ssyncset.done @!p2 $0x0  }
0x6e: {  	s13 =	simm.s32 @!p2 $0x7;
	[sflag:s14] =	ssyncadd.s32 @!p2 $0xFFFFE000  }
0x6f: {  	_ =	swait.ge @!p2 [sflag:s13], $0x400  }
0x70: {  	[sflag:s13] =	ssyncset.done @!p2 $0x0  }
0x71: {  	s19 =	simm.s32 $0x180;
	s20 =	sxor.u32 $0xFFFFFFFF, s5;
	[sflag:s13] =	ssyncadd.s32 @!p2 $0xFFFFFC00  }
0x72: {  	[tilespmem:s28], [sflag:$0x1] =	stream.indirect.gather [hbm4b:s1+s26], $0x40, s19, s26, $0xb8;
	[tilespmem:$0x1DB00] =	vst v63  }
0x73: {  	s13 =	sand.u32 $0x1, s20;
	_ =	swait.ge [sflag:s7], $0x2000  }
0x74: {  	p3 =	sne.s32 s13, s6;
	[sflag:s7] =	ssyncset.done $0x0  }
0x75: {  	s13 =	simm.s32 $0x5000;
	s14 =	simm.s32 @p3 $0x5;
	[sflag:s7] =	ssyncadd.s32 $0xFFFFE000  }
0x76: {  	[spmem:s3] =	stream.indirect.scatter.add.f32 [tilespmem:s29], [sflag:$0x5], $0x40, s13, s26, $0xb8;
	[tilespmem:$0x1DB00] =	vst v63  }
0x77: {  	_ =	swait.ge @p3 [sflag:s14], $0x2000  }
0x78: {  	[sflag:s14] =	ssyncset.done @p3 $0x0  }
0x79: {  	s17 =	simm.s32 @!p3 $0x80;
	[sflag:s14] =	ssyncadd.s32 @p3 $0xFFFFE000;
	s14 =	simm.s32 @!p3 $0x12300  }
0x7a: {  	[spmem:s4] =	stream.indirect.scatter.add.f32 @!p3 [tilespmem:s14], [sflag:$0x8], $0x8, s13, s17, $0xb8;
	[tilespmem:$0x1DB00] =	vst v63  }
0x7b: {  	s13 =	simm.s32 @!p3 $0x5  }
0x7c: {  	_ =	swait.ge @!p3 [sflag:s13], $0x2000  }
0x7d: {  	[sflag:s13] =	ssyncset.done @!p3 $0x0  }
0x7e: {  	s14 =	simm.s32 @!p3 $0x8;
	[sflag:s13] =	ssyncadd.s32 @!p3 $0xFFFFE000  }
0x7f: {  	_ =	swait.ge @!p3 [sflag:s14], $0x400  }
0x80: {  	[sflag:s14] =	ssyncset.done @!p3 $0x0  }
0x81: {  	s21 =	simm.s32 $0x200;
	[sflag:s14] =	ssyncadd.s32 @!p3 $0xFFFFFC00  }
0x82: {  	[tilespmem:s29], [sflag:$0x2] =	stream.indirect.gather [hbm4b:s1+s26], $0x40, s21, s26, $0xb8;
	[tilespmem:$0x1DB00] =	vst v63  }
0x83: {  	_ =	swait.ge [sflag:s8], $0x2000  }
0x84: {  	[sflag:s8] =	ssyncset.done $0x0  }
0x85: {  	s13 =	simm.s32 $0x5080;
	s14 =	simm.s32 @p2 $0x6;
	[sflag:s8] =	ssyncadd.s32 $0xFFFFE000  }
0x86: {  	[spmem:s3] =	stream.indirect.scatter.add.f32 [tilespmem:s31], [sflag:$0x6], $0x40, s13, s26, $0xb8;
	[tilespmem:$0x1DB00] =	vst v63  }
0x87: {  	_ =	swait.ge @p2 [sflag:s14], $0x2000  }
0x88: {  	[sflag:s14] =	ssyncset.done @p2 $0x0  }
0x89: {  	[sflag:s14] =	ssyncadd.s32 @p2 $0xFFFFE000;
	s14 =	simm.s32 @!p2 $0x6  }
0x8a: {  	[spmem:s4] =	stream.indirect.scatter.add.f32 @!p2 [tilespmem:s16], [sflag:$0x9], $0x8, s13, s15, $0xb8;
	[tilespmem:$0x1DB00] =	vst v63  }
0x8b: {  	_ =	swait.ge @!p2 [sflag:s14], $0x2000  }
0x8c: {  	[sflag:s14] =	ssyncset.done @!p2 $0x0  }
0x8d: {  	s16 =	simm.s32 @!p2 $0x9;
	[sflag:s14] =	ssyncadd.s32 @!p2 $0xFFFFE000  }
0x8e: {  	s13 =	simm.s32 $0x600;
	_ =	swait.ge @!p2 [sflag:s16], $0x400  }
0x8f: {  	s15 =	simm.s32 $0x280;
	s14 =	simm.s32 $0x0;
	[sflag:s16] =	ssyncset.done @!p2 $0x0  }
.LBB2_2:
0x90: {  	[sflag:s16] =	ssyncadd.s32 @!p2 $0xFFFFFC00  }
0x91: {  	s14 =	sadd.s32 $0x3, s14;
	s16 =	smov.u32 s13;
	s13 =	sadd.s32 $0x600, s13  }
0x92: {  	[tilespmem:s31], [sflag:$0x3] =	stream.indirect.gather [hbm4b:s1+s26], $0x40, s15, s26, $0xb8;
	[tilespmem:$0x1DB00] =	vst v63  }
0x93: {  	s15 =	sshra.s32 s16, $0x2;
	s16 =	sand.u32 $0x1, s14;
	_ =	swait.ge [sflag:s2], $0x2000  }
0x94: {  	s18 =	sadd.s32 $0x4F80, s15;
	p2 =	sne.s32 s16, s6;
	[sflag:s2] =	ssyncset.done $0x0  }
0x95: {  	p3 =	sne.s32 s13, $0x13200;
	s19 =	simm.s32 @p2 $0x4;
	[sflag:s2] =	ssyncadd.s32 $0xFFFFE000  }
0x96: {  	[spmem:s3] =	stream.indirect.scatter.add.f32 [tilespmem:s28], [sflag:$0x4], $0x40, s18, s26, $0xb8;
	[tilespmem:$0x1DB00] =	vst v63  }
0x97: {  	_ =	swait.ge @p2 [sflag:s19], $0x2000  }
0x98: {  	s16 =	simm.s32 @!p2 $0x80;
	s17 =	simm.s32 @!p2 $0x12300;
	[sflag:s19] =	ssyncset.done @p2 $0x0  }
0x99: {  	[sflag:s19] =	ssyncadd.s32 @p2 $0xFFFFE000;
	s19 =	simm.s32 @!p2 $0x4  }
0x9a: {  	[spmem:s4] =	stream.indirect.scatter.add.f32 @!p2 [tilespmem:s17], [sflag:$0x7], $0x8, s18, s16, $0xb8;
	[tilespmem:$0x1DB00] =	vst v63  }
0x9b: {  	_ =	swait.ge @!p2 [sflag:s19], $0x2000  }
0x9c: {  	s18 =	simm.s32 @!p2 $0x7;
	[sflag:s19] =	ssyncset.done @!p2 $0x0  }
0x9d: {  	[sflag:s19] =	ssyncadd.s32 @!p2 $0xFFFFE000  }
0x9e: {  	_ =	swait.ge @!p2 [sflag:s18], $0x400  }
0x9f: {  	s19 =	sadd.s32 $0x180, s15;
	[sflag:s18] =	ssyncset.done @!p2 $0x0  }
0xa0: {  	[sflag:s18] =	ssyncadd.s32 @!p2 $0xFFFFFC00;
	s18 =	sxor.u32 $0xFFFFFFFF, s14  }
0xa1: {  	[tilespmem:s28], [sflag:$0x1] =	stream.indirect.gather [hbm4b:s1+s26], $0x40, s19, s26, $0xb8;
	[tilespmem:$0x1DB00] =	vst v63  }
0xa2: {  	s18 =	sand.u32 $0x1, s18;
	_ =	swait.ge [sflag:s7], $0x2000  }
0xa3: {  	s19 =	sadd.s32 $0x5000, s15;
	p4 =	sne.s32 s18, s6;
	[sflag:s7] =	ssyncset.done $0x0  }
0xa4: {  	s18 =	simm.s32 @p4 $0x5;
	[sflag:s7] =	ssyncadd.s32 $0xFFFFE000  }
0xa5: {  	[spmem:s3] =	stream.indirect.scatter.add.f32 [tilespmem:s29], [sflag:$0x5], $0x40, s19, s26, $0xb8;
	[tilespmem:$0x1DB00] =	vst v63  }
0xa6: {  	_ =	swait.ge @p4 [sflag:s18], $0x2000  }
0xa7: {  	s20 =	simm.s32 @!p4 $0x80;
	s21 =	simm.s32 @!p4 $0x12300;
	[sflag:s18] =	ssyncset.done @p4 $0x0  }
0xa8: {  	[sflag:s18] =	ssyncadd.s32 @p4 $0xFFFFE000;
	s18 =	simm.s32 @!p4 $0x5  }
0xa9: {  	[spmem:s4] =	stream.indirect.scatter.add.f32 @!p4 [tilespmem:s21], [sflag:$0x8], $0x8, s19, s20, $0xb8;
	[tilespmem:$0x1DB00] =	vst v63  }
0xaa: {  	_ =	swait.ge @!p4 [sflag:s18], $0x2000  }
0xab: {  	s19 =	simm.s32 @!p4 $0x8;
	[sflag:s18] =	ssyncset.done @!p4 $0x0  }
0xac: {  	[sflag:s18] =	ssyncadd.s32 @!p4 $0xFFFFE000  }
0xad: {  	_ =	swait.ge @!p4 [sflag:s19], $0x400  }
0xae: {  	s18 =	sadd.s32 $0x200, s15;
	[sflag:s19] =	ssyncset.done @!p4 $0x0  }
0xaf: {  	[sflag:s19] =	ssyncadd.s32 @!p4 $0xFFFFFC00  }
0xb0: {  	[tilespmem:s29], [sflag:$0x2] =	stream.indirect.gather [hbm4b:s1+s26], $0x40, s18, s26, $0xb8;
	[tilespmem:$0x1DB00] =	vst v63  }
0xb1: {  	_ =	swait.ge [sflag:s8], $0x2000  }
0xb2: {  	s18 =	sadd.s32 $0x5080, s15;
	[sflag:s8] =	ssyncset.done $0x0  }
0xb3: {  	s19 =	simm.s32 @p2 $0x6;
	[sflag:s8] =	ssyncadd.s32 $0xFFFFE000  }
0xb4: {  	[spmem:s3] =	stream.indirect.scatter.add.f32 [tilespmem:s31], [sflag:$0x6], $0x40, s18, s26, $0xb8;
	[tilespmem:$0x1DB00] =	vst v63  }
0xb5: {  	_ =	swait.ge @p2 [sflag:s19], $0x2000  }
0xb6: {  	[sflag:s19] =	ssyncset.done @p2 $0x0  }
0xb7: {  	[sflag:s19] =	ssyncadd.s32 @p2 $0xFFFFE000;
	s19 =	simm.s32 @!p2 $0x6  }
0xb8: {  	[spmem:s4] =	stream.indirect.scatter.add.f32 @!p2 [tilespmem:s17], [sflag:$0x9], $0x8, s18, s16, $0xb8;
	[tilespmem:$0x1DB00] =	vst v63  }
.Ltmp0:
0xb9: {  	_ =	swait.ge @!p2 [sflag:s19], $0x2000;
	(pc) =	sbr.rel @p3 .LBB2_2-.Ltmp0, $4  }
0xba: {  	s16 =	simm.s32 @!p2 $0x9;
	[sflag:s19] =	ssyncset.done @!p2 $0x0  }
0xbb: {  	[sflag:s19] =	ssyncadd.s32 @!p2 $0xFFFFE000  }
0xbc: {  	_ =	swait.ge @!p2 [sflag:s16], $0x400  }
0xbd: {  	s15 =	sadd.s32 $0x280, s15;
	[sflag:s16] =	ssyncset.done @!p2 $0x0  }
0xbe: {  	[sflag:s16] =	ssyncadd.s32 @!p2 $0xFFFFFC00  }
0xbf: {  	[tilespmem:s31], [sflag:$0x3] =	stream.indirect.gather [hbm4b:s1+s26], $0x40, s15, s26, $0xb8;
	[tilespmem:$0x1DB00] =	vst v63  }
0xc0: {  	_ =	swait.ge [sflag:s2], $0x2000  }
0xc1: {  	s17 =	sshra.s32 s13, $0x2;
	[sflag:s2] =	ssyncset.done $0x0  }
0xc2: {  	s15 =	sadd.s32 $0x4F80, s17;
	[sflag:s2] =	ssyncadd.s32 $0xFFFFE000  }
0xc3: {  	[spmem:s3] =	stream.indirect.scatter.add.f32 [tilespmem:s28], [sflag:$0x4], $0x40, s15, s26, $0xb8;
	[tilespmem:$0x1DB00] =	vst v63  }
0xc4: {  	s13 =	simm.s32 @p0 $0x80;
	s14 =	simm.s32 @p0 $0x12300  }
0xc5: {  	[spmem:s4] =	stream.indirect.scatter.add.f32 @p0 [tilespmem:s14], [sflag:$0x7], $0x8, s15, s13, $0xb8;
	[tilespmem:$0x1DB00] =	vst v63  }
0xc6: {  	s15 =	simm.s32 @p0 $0x4  }
0xc7: {  	_ =	swait.ge @p0 [sflag:s15], $0x2000  }
0xc8: {  	[sflag:s15] =	ssyncset.done @p0 $0x0  }
0xc9: {  	[sflag:s15] =	ssyncadd.s32 @p0 $0xFFFFE000;
	s15 =	simm.s32 @p0 $0x7  }
0xca: {  	_ =	swait.ge @p0 [sflag:s15], $0x400  }
0xcb: {  	[sflag:s15] =	ssyncset.done @p0 $0x0  }
0xcc: {  	[sflag:s15] =	ssyncadd.s32 @p0 $0xFFFFFC00;
	s15 =	simm.s32 @!p0 $0x4  }
0xcd: {  	_ =	swait.ge @!p0 [sflag:s15], $0x2000  }
0xce: {  	[sflag:s15] =	ssyncset.done @!p0 $0x0  }
0xcf: {  	s16 =	simm.s32 $0x4E00;
	[sflag:s15] =	ssyncadd.s32 @!p0 $0xFFFFE000  }
0xd0: {  	[tilespmem:s28], [sflag:$0x1] =	stream.indirect.gather [hbm4b:s1+s26], $0x40, s16, s26, $0xb8;
	[tilespmem:$0x1DB00] =	vst v63  }
0xd1: {  	_ =	swait.ge [sflag:s7], $0x2000  }
0xd2: {  	[sflag:s7] =	ssyncset.done $0x0  }
0xd3: {  	s18 =	simm.s32 $0x9C80;
	[sflag:s7] =	ssyncadd.s32 $0xFFFFE000  }
0xd4: {  	[spmem:s3] =	stream.indirect.scatter.add.f32 [tilespmem:s29], [sflag:$0x5], $0x40, s18, s26, $0xb8;
	[tilespmem:$0x1DB00] =	vst v63  }
0xd5: {  	s15 =	simm.s32 @p1 $0x80;
	s16 =	simm.s32 @p1 $0x12300;
	s18 =	simm.s32 @p1 $0x9C80  }
0xd6: {  	[spmem:s4] =	stream.indirect.scatter.add.f32 @p1 [tilespmem:s16], [sflag:$0x8], $0x8, s18, s15, $0xb8;
	[tilespmem:$0x1DB00] =	vst v63  }
0xd7: {  	s18 =	simm.s32 @p1 $0x5  }
0xd8: {  	_ =	swait.ge @p1 [sflag:s18], $0x2000  }
0xd9: {  	[sflag:s18] =	ssyncset.done @p1 $0x0  }
0xda: {  	[sflag:s18] =	ssyncadd.s32 @p1 $0xFFFFE000;
	s18 =	simm.s32 @p1 $0x8  }
0xdb: {  	_ =	swait.ge @p1 [sflag:s18], $0x400  }
0xdc: {  	[sflag:s18] =	ssyncset.done @p1 $0x0  }
0xdd: {  	[sflag:s18] =	ssyncadd.s32 @p1 $0xFFFFFC00;
	s18 =	simm.s32 @!p1 $0x5  }
0xde: {  	_ =	swait.ge @!p1 [sflag:s18], $0x2000  }
0xdf: {  	[sflag:s18] =	ssyncset.done @!p1 $0x0  }
0xe0: {  	s19 =	simm.s32 $0x4E80;
	[sflag:s18] =	ssyncadd.s32 @!p1 $0xFFFFE000  }
0xe1: {  	[tilespmem:s29], [sflag:$0x2] =	stream.indirect.gather [hbm4b:s1+s26], $0x40, s19, s26, $0xb8;
	[tilespmem:$0x1DB00] =	vst v63  }
0xe2: {  	_ =	swait.ge [sflag:s8], $0x2000  }
0xe3: {  	[sflag:s8] =	ssyncset.done $0x0  }
0xe4: {  	s17 =	sadd.s32 $0x5080, s17;
	[sflag:s8] =	ssyncadd.s32 $0xFFFFE000  }
0xe5: {  	[spmem:s3] =	stream.indirect.scatter.add.f32 [tilespmem:s31], [sflag:$0x6], $0x40, s17, s26, $0xb8;
	[tilespmem:$0x1DB00] =	vst v63  }
0xe6: {  	_ = 	snop  }
0xe7: {  	[spmem:s4] =	stream.indirect.scatter.add.f32 @p0 [tilespmem:s14], [sflag:$0x9], $0x8, s17, s13, $0xb8;
	[tilespmem:$0x1DB00] =	vst v63  }
0xe8: {  	s17 =	simm.s32 @p0 $0x6  }
0xe9: {  	_ =	swait.ge @p0 [sflag:s17], $0x2000  }
0xea: {  	[sflag:s17] =	ssyncset.done @p0 $0x0  }
0xeb: {  	[sflag:s17] =	ssyncadd.s32 @p0 $0xFFFFE000;
	s17 =	simm.s32 @p0 $0x9  }
0xec: {  	_ =	swait.ge @p0 [sflag:s17], $0x400  }
0xed: {  	[sflag:s17] =	ssyncset.done @p0 $0x0  }
0xee: {  	[sflag:s17] =	ssyncadd.s32 @p0 $0xFFFFFC00;
	s17 =	simm.s32 @!p0 $0x6  }
0xef: {  	_ =	swait.ge @!p0 [sflag:s17], $0x2000  }
0xf0: {  	[sflag:s17] =	ssyncset.done @!p0 $0x0  }
0xf1: {  	[sflag:s17] =	ssyncadd.s32 @!p0 $0xFFFFE000  }
0xf2: {  	[tilespmem:s31], [sflag:$0x3] =	stream.indirect.gather [hbm4b:s1+s26], $0x40, s9, s26, $0xb8;
	[tilespmem:$0x1DB00] =	vst v63  }
0xf3: {  	_ =	swait.ge [sflag:s2], $0x2000  }
0xf4: {  	[sflag:s2] =	ssyncset.done $0x0  }
0xf5: {  	s20 =	simm.s32 $0x9D80;
	[sflag:s2] =	ssyncadd.s32 $0xFFFFE000  }
0xf6: {  	[spmem:s3] =	stream.indirect.scatter.add.f32 [tilespmem:s28], [sflag:$0x4], $0x40, s20, s26, $0xb8;
	[tilespmem:$0x1DB00] =	vst v63  }
0xf7: {  	s17 =	simm.s32 @p1 $0x9D80  }
0xf8: {  	[spmem:s4] =	stream.indirect.scatter.add.f32 @p1 [tilespmem:s16], [sflag:$0x7], $0x8, s17, s15, $0xb8;
	[tilespmem:$0x1DB00] =	vst v63  }
0xf9: {  	s17 =	simm.s32 @p1 $0x4  }
0xfa: {  	_ =	swait.ge @p1 [sflag:s17], $0x2000  }
0xfb: {  	[sflag:s17] =	ssyncset.done @p1 $0x0  }
0xfc: {  	[sflag:s17] =	ssyncadd.s32 @p1 $0xFFFFE000;
	s17 =	simm.s32 @p1 $0x7  }
0xfd: {  	_ =	swait.ge @p1 [sflag:s17], $0x400  }
0xfe: {  	[sflag:s17] =	ssyncset.done @p1 $0x0  }
0xff: {  	[sflag:s17] =	ssyncadd.s32 @p1 $0xFFFFFC00;
	s17 =	simm.s32 @!p1 $0x4  }
0x100: {  	_ =	swait.ge @!p1 [sflag:s17], $0x2000  }
0x101: {  	[sflag:s17] =	ssyncset.done @!p1 $0x0  }
0x102: {  	[sflag:s17] =	ssyncadd.s32 @!p1 $0xFFFFE000  }
0x103: {  	[tilespmem:s28], [sflag:$0x1] =	stream.indirect.gather [hbm4b:s1+s26], $0x40, s9, s26, $0xb8;
	[tilespmem:$0x1DB00] =	vst v63  }
0x104: {  	_ =	swait.ge [sflag:s7], $0x2000  }
0x105: {  	[sflag:s7] =	ssyncset.done $0x0  }
0x106: {  	s21 =	simm.s32 $0x9E00;
	[sflag:s7] =	ssyncadd.s32 $0xFFFFE000  }
0x107: {  	[spmem:s3] =	stream.indirect.scatter.add.f32 [tilespmem:s29], [sflag:$0x5], $0x40, s21, s26, $0xb8;
	[tilespmem:$0x1DB00] =	vst v63  }
0x108: {  	s17 =	simm.s32 @p0 $0x9E00  }
0x109: {  	[spmem:s4] =	stream.indirect.scatter.add.f32 @p0 [tilespmem:s14], [sflag:$0x8], $0x8, s17, s13, $0xb8;
	[tilespmem:$0x1DB00] =	vst v63  }
0x10a: {  	s13 =	simm.s32 @p0 $0x5  }
0x10b: {  	_ =	swait.ge @p0 [sflag:s13], $0x2000  }
0x10c: {  	[sflag:s13] =	ssyncset.done @p0 $0x0  }
0x10d: {  	[sflag:s13] =	ssyncadd.s32 @p0 $0xFFFFE000;
	s13 =	simm.s32 @p0 $0x8  }
0x10e: {  	_ =	swait.ge @p0 [sflag:s13], $0x400  }
0x10f: {  	[sflag:s13] =	ssyncset.done @p0 $0x0  }
0x110: {  	[sflag:s13] =	ssyncadd.s32 @p0 $0xFFFFFC00;
	s13 =	simm.s32 @!p0 $0x5  }
0x111: {  	_ =	swait.ge @!p0 [sflag:s13], $0x2000  }
0x112: {  	[sflag:s13] =	ssyncset.done @!p0 $0x0  }
0x113: {  	[sflag:s13] =	ssyncadd.s32 @!p0 $0xFFFFE000  }
0x114: {  	[tilespmem:s29], [sflag:$0x2] =	stream.indirect.gather [hbm4b:s1+s26], $0x40, s9, s26, $0xb8;
	[tilespmem:$0x1DB00] =	vst v63  }
0x115: {  	_ =	swait.ge [sflag:s8], $0x2000  }
0x116: {  	[sflag:s8] =	ssyncset.done $0x0  }
0x117: {  	s17 =	simm.s32 $0x9E80;
	[sflag:s8] =	ssyncadd.s32 $0xFFFFE000  }
0x118: {  	[spmem:s3] =	stream.indirect.scatter.add.f32 [tilespmem:s31], [sflag:$0x6], $0x40, s17, s26, $0xb8;
	[tilespmem:$0x1DB00] =	vst v63  }
0x119: {  	s13 =	simm.s32 @p1 $0x9E80  }
0x11a: {  	[spmem:s4] =	stream.indirect.scatter.add.f32 @p1 [tilespmem:s16], [sflag:$0x9], $0x8, s13, s15, $0xb8;
	[tilespmem:$0x1DB00] =	vst v63  }
0x11b: {  	s13 =	simm.s32 @p1 $0x6  }
0x11c: {  	_ =	swait.ge @p1 [sflag:s13], $0x2000  }
0x11d: {  	[sflag:s13] =	ssyncset.done @p1 $0x0  }
0x11e: {  	[sflag:s13] =	ssyncadd.s32 @p1 $0xFFFFE000;
	s13 =	simm.s32 @p1 $0x9  }
0x11f: {  	_ =	swait.ge @p1 [sflag:s13], $0x400  }
0x120: {  	[sflag:s13] =	ssyncset.done @p1 $0x0  }
0x121: {  	[sflag:s13] =	ssyncadd.s32 @p1 $0xFFFFFC00;
	s13 =	simm.s32 @!p1 $0x6  }
0x122: {  	_ =	swait.ge @!p1 [sflag:s13], $0x2000  }
0x123: {  	[sflag:s13] =	ssyncset.done @!p1 $0x0  }
0x124: {  	[sflag:s13] =	ssyncadd.s32 @!p1 $0xFFFFE000  }
0x125: {  	[tilespmem:s31], [sflag:$0x3] =	stream.indirect.gather [hbm4b:s1+s26], $0x40, s9, s26, $0xb8;
	[tilespmem:$0x1DB00] =	vst v63  }
0x126: {  	_ =	swait.ge [sflag:s2], $0x2000  }
0x127: {  	[sflag:s2] =	ssyncset.done $0x0  }
0x128: {  	[sflag:s2] =	ssyncadd.s32 $0xFFFFE000  }
0x129: {  	_ =	swait.ge [sflag:s7], $0x2000  }
0x12a: {  	[sflag:s7] =	ssyncset.done $0x0  }
0x12b: {  	[sflag:s7] =	ssyncadd.s32 $0xFFFFE000  }
0x12c: {  	_ =	swait.ge [sflag:s8], $0x2000  }
0x12d: {  	[sflag:s8] =	ssyncset.done $0x0  }
0x12e: {  	s18 =	stileid.u32;
	[sflag:s8] =	ssyncadd.s32 $0xFFFFE000  }
0x12f: {  	s13 =	sshll.u32 s18, $0x6;
	[bflag:$0x0] =	sbarrier.arrive $0xFFFF  }
0x130: {  	s19 =	sshrl.u32 s11, $0x3;
	s13 =	sor.u32 $0x1C0A, s13;
	s20 =	rddreg [dreg:$0x12]  }
0x131: {  	[hbm:s20], [sflag:s13] =	dma.local [spmem:s19], $0x1400  }
0x132: {  	s10 =	sadd.s32 $0x1, s10;
	_ =	swait.ge [sflag:s25], $0x1400  }
0x133: {  	p2 =	sne.s32 s10, s23;
	[sflag:s25] =	ssyncset.done $0x0  }
.Ltmp1:
0x134: {  	s21 =	sshrl.u32 s12, $0x3;
	[sflag:s25] =	ssyncadd.s32 $0xFFFFEC00;
	(pc) =	sbr.rel @p2 .LBB2_1-.Ltmp1, $4  }
0x135: {  	[hbm:s22], [sflag:s13] =	dma.local [spmem:s21], $0x280  }
0x136: {  	_ =	swait.ge [sflag:s25], $0x280  }
0x137: {  	[sflag:s25] =	ssyncset.done $0x0  }
0x138: {  	[sflag:s25] =	ssyncadd.s32 $0xFFFFFD80  }
0x139: {  	_ =	sfence.sel $0x180000  }
0x13a: {  	[bflag:$0x0] =	sbarrier.arrive $0xFFFF  }
0x13b: {  	_ =	strace $0x90000047  }
0x13c: {  	s0 =	stileid.u32;
	[bflag:$0x2] =	sbarrier.arrive $0xFFFF  }
0x13d: {  	p0 =	sne.s32 s0, $0x0;
	s0 =	rddreg [dreg:$0x5]  }
0x13e: {  	s0 =	sadd.s32 @!p0 $0x100000, s0  }
0x13f: {  	[sflag:s0] =	ssyncadd.tile.s32 @!p0 $0x1;
	_ =	shalt  }
.Lfunc_end2:
_tile_overlayer_lowered:
.L_overlay_start_2:
0x140: {  	(tag) =	ssettag $0x2  }
0x141: {  	s0 =	rddreg [dreg:$0x0];
	s2 =	stileid.u32  }
0x142: {  	s1 =	rddreg [dreg:$0x1];
	p0 =	sne.s32 s2, $0x0  }
0x143: {  	s3 =	rddreg [dreg:$0x2];
	[bflag:$0x3] =	sbarrier.arrive $0xFFFF;
	s2 =	simm.s32 @!p0 $0x1C0A  }
0x144: {  	[timem:s3], [sflag:s2] =	dma.local @!p0 [hbm:s0], s1  }
0x145: {  	s0 =	simm.s32 @!p0 $0xA  }
0x146: {  	_ =	swait.ge @!p0 [sflag:s0], s1  }
0x147: {  	s1 =	ssub.s32 @!p0 $0x0, s1;
	[sflag:s0] =	ssyncset.done @!p0 $0x0  }
0x148: {  	[sflag:s0] =	ssyncadd.s32 @!p0 s1  }
0x149: {  	[bflag:$0x3] =	sbarrier.arrive $0xFFFF  }
0x14a: {  	_ =	shalt  }

</sc_bundles>
